<compile_context>
chip_gen: v7x
topology: tpu7x:2x2x1
jax: 0.10.2.dev20260603
libtpu: 0.0.44.dev20260713+nightly
codegen_flags: <defaults>
</compile_context>

<pallas_src>
import functools

import jax
import jax.numpy as jnp
from jax import lax
from jax.experimental import pallas as pl
from jax.experimental.pallas import tpu as pltpu
from jax.experimental.pallas import tpu_sc as plsc

_NUM_CLASS = 100
_FEAT = 128
_N = 320000
_NC = 2
_NS = 16
_NW = _NC * _NS
_ROWS_PER_W = _N // _NW
_CHUNK = 128
_NFULL = _ROWS_PER_W // _CHUNK
_TAIL = _ROWS_PER_W - _NFULL * _CHUNK
_ACLASS = 104
_ZROWS = 8
_NBUF = 4


def _sc_segment_sum(batch_hbm, tgt_hbm, parts_hbm,
                    rows_buf0, rows_buf1, rows_buf2, rows_buf3,
                    tgt_buf0, tgt_buf1, tgt_buf2, tgt_buf3,
                    rows_tail, tgt_tail, zero_buf, acc,
                    gsem0, gsem1, gsem2, gsem3,
                    ssem0, ssem1, ssem2, ssem3, tsem):
    cid = lax.axis_index("c")
    sid = lax.axis_index("s")
    wid = cid * _NS + sid
    base = wid * _ROWS_PER_W
    rows_bufs = (rows_buf0, rows_buf1, rows_buf2, rows_buf3)
    tgt_bufs = (tgt_buf0, tgt_buf1, tgt_buf2, tgt_buf3)
    gsems = (gsem0, gsem1, gsem2, gsem3)
    ssems = (ssem0, ssem1, ssem2, ssem3)

    def start_gather(ci, b):
        off = base + ci * _CHUNK
        pltpu.async_copy(tgt_hbm.at[pl.ds(off, _CHUNK)], tgt_bufs[b], gsems[b])
        pltpu.async_copy(batch_hbm.at[pl.ds(off, _CHUNK)], rows_bufs[b],
                         gsems[b])

    toff = base + _NFULL * _CHUNK
    start_gather(0, 0)
    start_gather(1, 1)
    pltpu.async_copy(tgt_hbm.at[pl.ds(toff, _TAIL)], tgt_tail, tsem)
    pltpu.async_copy(batch_hbm.at[pl.ds(toff, _TAIL)], rows_tail, tsem)

    zeros16 = jnp.zeros((16,), jnp.float32)

    def zero_body(i, carry):
        r = i // (_FEAT // 16)
        c = i % (_FEAT // 16)
        zero_buf[r, pl.ds(c * 16, 16)] = zeros16
        return carry

    @pl.when(sid < _ACLASS // _ZROWS)
    def _():
        lax.fori_loop(0, _ZROWS * (_FEAT // 16), zero_body, 0)
        pltpu.sync_copy(zero_buf, acc.at[pl.ds(sid * _ZROWS, _ZROWS)])

    plsc.subcore_barrier()

    def wait_gather(ci, b):
        off = base + ci * _CHUNK
        pltpu.make_async_copy(tgt_hbm.at[pl.ds(off, _CHUNK)], tgt_bufs[b],
                              gsems[b]).wait()
        pltpu.make_async_copy(batch_hbm.at[pl.ds(off, _CHUNK)], rows_bufs[b],
                              gsems[b]).wait()

    def start_scatter(b):
        pltpu.async_copy(rows_bufs[b], acc.at[tgt_bufs[b]], ssems[b],
                         add=True)

    def wait_scatter(b):
        pltpu.make_async_copy(rows_bufs[b], acc.at[tgt_bufs[b]],
                              ssems[b]).wait()

    def chunk_body(i, carry):
        for b in range(_NBUF):
            ci = _NBUF * i + b

            @pl.when(ci < _NFULL)
            def _():
                @pl.when(jnp.logical_and(ci >= _NBUF - 2, ci + 2 < _NFULL))
                def _():
                    wait_scatter((b + 2) % _NBUF)

                @pl.when(ci + 2 < _NFULL)
                def _():
                    start_gather(ci + 2, (b + 2) % _NBUF)

                wait_gather(ci, b)
                start_scatter(b)
        return carry

    lax.fori_loop(0, (_NFULL + _NBUF - 1) // _NBUF, chunk_body, 0)

    for k in range(_NBUF):
        wait_scatter((_NFULL - _NBUF + k) % _NBUF)

    pltpu.make_async_copy(tgt_hbm.at[pl.ds(toff, _TAIL)], tgt_tail,
                          tsem).wait()
    pltpu.make_async_copy(batch_hbm.at[pl.ds(toff, _TAIL)], rows_tail,
                          tsem).wait()
    pltpu.sync_copy(rows_tail, acc.at[tgt_tail], add=True)

    plsc.subcore_barrier()

    @pl.when(sid < _ACLASS // _ZROWS)
    def _():
        pltpu.sync_copy(acc.at[pl.ds(sid * _ZROWS, _ZROWS)],
                        parts_hbm.at[cid, pl.ds(sid * _ZROWS, _ZROWS)])


_sc_call = functools.partial(
    pl.kernel,
    out_type=jax.ShapeDtypeStruct((_NC, _ACLASS, _FEAT), jnp.float32),
    mesh=plsc.VectorSubcoreMesh(core_axis_name="c", subcore_axis_name="s"),
    scratch_types=(
        [pltpu.VMEM((_CHUNK, _FEAT), jnp.float32)] * _NBUF
        + [pltpu.VMEM((_CHUNK,), jnp.int32)] * _NBUF
        + [
            pltpu.VMEM((_TAIL, _FEAT), jnp.float32),
            pltpu.VMEM((_TAIL,), jnp.int32),
            pltpu.VMEM((_ZROWS, _FEAT), jnp.float32),
            pltpu.VMEM_SHARED((_ACLASS, _FEAT), jnp.float32),
        ]
        + [pltpu.SemaphoreType.DMA] * (2 * _NBUF + 1)
    ),
)(_sc_segment_sum)


def _combine(parts_ref, cs_ref, o_ref):
    o_ref[...] = (cs_ref[...]
                  + parts_ref[0, :_NUM_CLASS] + parts_ref[1, :_NUM_CLASS])


def kernel(batch_samples, targets, idx, class_sums):
    del idx
    parts = _sc_call(batch_samples, targets)
    return pl.pallas_call(
        _combine,
        out_shape=jax.ShapeDtypeStruct((_NUM_CLASS, _FEAT), jnp.float32),
    )(parts, class_sums)

# --- scband reference (transcript-rebuilt; emitter-appended) ---
"""Pipeline reference for scband-momentum-calc-head-54958401519770 (READ-ONLY COPY).

The authoritative reference and input builder live on the scoring server;
editing this copy changes nothing except your own understanding.
"""

import jax, jax.numpy as jnp
import numpy as np

NUM_CLASS = 100
FEAT_DIM = 128
N = 320000


def setup_inputs(seed: int = 0) -> dict:
    key = jax.random.key(seed)
    k1, k2 = jax.random.split(key)
    batch_samples = jax.random.normal(k1, (N, FEAT_DIM), dtype=jnp.float32)
    targets = jax.random.randint(k2, (N,), 0, NUM_CLASS, dtype=jnp.int32)
    idx = jnp.arange(N, dtype=jnp.int32)
    # class_sums buffer from __init__: torch.zeros(num_class, feat_dim)
    class_sums = jnp.zeros((NUM_CLASS, FEAT_DIM), dtype=jnp.float32)
    return {"batch_samples": batch_samples, "targets": targets, "idx": idx, "class_sums": class_sums}


def reference(batch_samples, targets, idx, class_sums):
    # Faithful translation of MomentumCalcHead.forward:
    #   for label in targets.unique():
    #       class_sums[label] += batch_samples[targets == label].sum(dim=0)
    # This is exactly a per-class segment-sum accumulated into class_sums.
    seg = jax.ops.segment_sum(batch_samples, targets, num_segments=NUM_CLASS)
    updated_class_sums = class_sums + seg
    return updated_class_sums

if __name__ == "__main__":
    import jax
    _d = setup_inputs()
    print(jax.jit(kernel)(*tuple(_d.values())))

</pallas_src>

<mosaic_0001>
#map = affine_map<(d0, d1) -> (0, 0)>
#map1 = affine_map<(d0, d1) -> (0)>
#map2 = affine_map<(d0, d1) -> (0, 0, 0)>
module attributes {stable_mosaic.version = 14 : i64} {
  func.func @_sc_segment_sum(%arg0: i32, %arg1: i32, %arg2: memref<320000x128xf32, #tpu.memory_space<hbm>>, %arg3: memref<320000xi32, #tpu.memory_space<hbm>>, %arg4: memref<2x104x128xf32, #tpu.memory_space<hbm>>, %arg5: memref<128x128xf32, #tpu.memory_space<vmem>>, %arg6: memref<128x128xf32, #tpu.memory_space<vmem>>, %arg7: memref<128x128xf32, #tpu.memory_space<vmem>>, %arg8: memref<128x128xf32, #tpu.memory_space<vmem>>, %arg9: memref<128xi32, #tpu.memory_space<vmem>>, %arg10: memref<128xi32, #tpu.memory_space<vmem>>, %arg11: memref<128xi32, #tpu.memory_space<vmem>>, %arg12: memref<128xi32, #tpu.memory_space<vmem>>, %arg13: memref<16x128xf32, #tpu.memory_space<vmem>>, %arg14: memref<16xi32, #tpu.memory_space<vmem>>, %arg15: memref<8x128xf32, #tpu.memory_space<vmem>>, %arg16: memref<104x128xf32, #tpu.memory_space<vmem_shared>>, %arg17: memref<!tpu.dma_semaphore, #tpu.memory_space<semaphore_mem>>, %arg18: memref<!tpu.dma_semaphore, #tpu.memory_space<semaphore_mem>>, %arg19: memref<!tpu.dma_semaphore, #tpu.memory_space<semaphore_mem>>, %arg20: memref<!tpu.dma_semaphore, #tpu.memory_space<semaphore_mem>>, %arg21: memref<!tpu.dma_semaphore, #tpu.memory_space<semaphore_mem>>, %arg22: memref<!tpu.dma_semaphore, #tpu.memory_space<semaphore_mem>>, %arg23: memref<!tpu.dma_semaphore, #tpu.memory_space<semaphore_mem>>, %arg24: memref<!tpu.dma_semaphore, #tpu.memory_space<semaphore_mem>>, %arg25: memref<!tpu.dma_semaphore, #tpu.memory_space<semaphore_mem>>) attributes {dimension_semantics = [#tpu.dimension_semantics<core_parallel>, #tpu.dimension_semantics<subcore_parallel>], iteration_bounds = array<i64: 2, 16>, scalar_prefetch = 0 : i64, scratch_operands = 21 : i64, tpu.core_type = #tpu.core_type<sc_vector_subcore>, window_params = [{transform_indices = #map}, {transform_indices = #map1}, {transform_indices = #map2}]} {
    %mul3A = arith.constant 16 : i32
    %mul3A_0 = arith.muli %arg0, %mul3A : i32
    %add3A = arith.addi %mul3A_0, %arg1 : i32
    %mul3A_1 = arith.constant 10000 : i32
    %mul3A_2 = arith.muli %add3A, %mul3A_1 : i32
    %add3A_3 = arith.constant 9984 : i32
    %add3A_4 = arith.addi %mul3A_2, %add3A_3 : i32
    %add3A_5 = arith.constant 0 : i32
    %add3A_6 = arith.addi %mul3A_2, %add3A_5 : i32
    %dma_start3A = tpu.memref_slice %arg3[%add3A_6] : memref<320000xi32, #tpu.memory_space<hbm>> -> memref<128xi32, #tpu.memory_space<hbm>>
    %dma_start3A_7 = tpu.memref_slice %arg3[%add3A_6] : memref<320000xi32, #tpu.memory_space<hbm>> -> memref<128xi32, #tpu.memory_space<hbm>>
    tpu.enqueue_dma source(%dma_start3A_7 : memref<128xi32, #tpu.memory_space<hbm>>) target(%arg9 : memref<128xi32, #tpu.memory_space<vmem>>) target_semaphore(%arg17 : memref<!tpu.dma_semaphore, #tpu.memory_space<semaphore_mem>>)
    %dma_start3A_8 = arith.constant 0 : i32
    %dma_start3A_9 = tpu.memref_slice %arg2[%add3A_6, %dma_start3A_8] : memref<320000x128xf32, #tpu.memory_space<hbm>> -> memref<128x128xf32, #tpu.memory_space<hbm>>
    %dma_start3A_10 = arith.constant 0 : i32
    %dma_start3A_11 = tpu.memref_slice %arg2[%add3A_6, %dma_start3A_10] : memref<320000x128xf32, #tpu.memory_space<hbm>> -> memref<128x128xf32, #tpu.memory_space<hbm>>
    tpu.enqueue_dma source(%dma_start3A_11 : memref<128x128xf32, #tpu.memory_space<hbm>>) target(%arg5 : memref<128x128xf32, #tpu.memory_space<vmem>>) target_semaphore(%arg17 : memref<!tpu.dma_semaphore, #tpu.memory_space<semaphore_mem>>)
    %add3A_12 = arith.constant 128 : i32
    %add3A_13 = arith.addi %mul3A_2, %add3A_12 : i32
    %dma_start3A_14 = tpu.memref_slice %arg3[%add3A_13] : memref<320000xi32, #tpu.memory_space<hbm>> -> memref<128xi32, #tpu.memory_space<hbm>>
    %dma_start3A_15 = tpu.memref_slice %arg3[%add3A_13] : memref<320000xi32, #tpu.memory_space<hbm>> -> memref<128xi32, #tpu.memory_space<hbm>>
    tpu.enqueue_dma source(%dma_start3A_15 : memref<128xi32, #tpu.memory_space<hbm>>) target(%arg10 : memref<128xi32, #tpu.memory_space<vmem>>) target_semaphore(%arg18 : memref<!tpu.dma_semaphore, #tpu.memory_space<semaphore_mem>>)
    %dma_start3A_16 = arith.constant 0 : i32
    %dma_start3A_17 = tpu.memref_slice %arg2[%add3A_13, %dma_start3A_16] : memref<320000x128xf32, #tpu.memory_space<hbm>> -> memref<128x128xf32, #tpu.memory_space<hbm>>
    %dma_start3A_18 = arith.constant 0 : i32
    %dma_start3A_19 = tpu.memref_slice %arg2[%add3A_13, %dma_start3A_18] : memref<320000x128xf32, #tpu.memory_space<hbm>> -> memref<128x128xf32, #tpu.memory_space<hbm>>
    tpu.enqueue_dma source(%dma_start3A_19 : memref<128x128xf32, #tpu.memory_space<hbm>>) target(%arg6 : memref<128x128xf32, #tpu.memory_space<vmem>>) target_semaphore(%arg18 : memref<!tpu.dma_semaphore, #tpu.memory_space<semaphore_mem>>)
    %dma_start3A_20 = tpu.memref_slice %arg3[%add3A_4] : memref<320000xi32, #tpu.memory_space<hbm>> -> memref<16xi32, #tpu.memory_space<hbm>>
    %dma_start3A_21 = tpu.memref_slice %arg3[%add3A_4] : memref<320000xi32, #tpu.memory_space<hbm>> -> memref<16xi32, #tpu.memory_space<hbm>>
    tpu.enqueue_dma source(%dma_start3A_21 : memref<16xi32, #tpu.memory_space<hbm>>) target(%arg14 : memref<16xi32, #tpu.memory_space<vmem>>) target_semaphore(%arg25 : memref<!tpu.dma_semaphore, #tpu.memory_space<semaphore_mem>>)
    %dma_start3A_22 = arith.constant 0 : i32
    %dma_start3A_23 = tpu.memref_slice %arg2[%add3A_4, %dma_start3A_22] : memref<320000x128xf32, #tpu.memory_space<hbm>> -> memref<16x128xf32, #tpu.memory_space<hbm>>
    %dma_start3A_24 = arith.constant 0 : i32
    %dma_start3A_25 = tpu.memref_slice %arg2[%add3A_4, %dma_start3A_24] : memref<320000x128xf32, #tpu.memory_space<hbm>> -> memref<16x128xf32, #tpu.memory_space<hbm>>
    tpu.enqueue_dma source(%dma_start3A_25 : memref<16x128xf32, #tpu.memory_space<hbm>>) target(%arg13 : memref<16x128xf32, #tpu.memory_space<vmem>>) target_semaphore(%arg25 : memref<!tpu.dma_semaphore, #tpu.memory_space<semaphore_mem>>)
    %broadcast_in_dim3A = arith.constant 0.000000e+00 : f32
    %broadcast_in_dim3A_26 = vector.broadcast %broadcast_in_dim3A : f32 to vector<16xf32>
    %lt3A = arith.constant 13 : i32
    %lt3A_27 = arith.cmpi slt, %arg1, %lt3A : i32
    %convert_element_type3A = arith.extui %lt3A_27 : i1 to i32
    %cond3A = arith.constant 0 : i32
    %cond3A_28 = arith.cmpi ne, %convert_element_type3A, %cond3A : i32
    scf.if %cond3A_28 {
      %scan3A_57 = arith.constant 0 : i32
      %scan3A_58 = arith.constant 0 : i32
      %scan3A_59 = arith.constant 64 : i32
      %scan3A_60 = arith.addi %scan3A_58, %scan3A_59 : i32
      %scan3A_61 = arith.constant 1 : i32
      scf.for %scan3A_65 = %scan3A_58 to %scan3A_60 step %scan3A_61  : i32 {
        %jit3A = arith.constant 8 : i32
        %div3A = arith.divsi %scan3A_65, %jit3A : i32
        %sign3A = arith.constant 0 : i32
        %sign3A_66 = arith.cmpi sgt, %scan3A_65, %sign3A : i32
        %sign3A_67 = arith.extui %sign3A_66 : i1 to i32
        %sign3A_68 = arith.constant 0 : i32
        %sign3A_69 = arith.cmpi slt, %scan3A_65, %sign3A_68 : i32
        %sign3A_70 = arith.extui %sign3A_69 : i1 to i32
        %sign3A_71 = arith.subi %sign3A_67, %sign3A_70 : i32
        %sign3A_72 = arith.constant 0 : i32
        %sign3A_73 = arith.cmpi sgt, %jit3A, %sign3A_72 : i32
        %sign3A_74 = arith.extui %sign3A_73 : i1 to i32
        %sign3A_75 = arith.constant 0 : i32
        %sign3A_76 = arith.cmpi slt, %jit3A, %sign3A_75 : i32
        %sign3A_77 = arith.extui %sign3A_76 : i1 to i32
        %sign3A_78 = arith.subi %sign3A_74, %sign3A_77 : i32
        %ne3A = arith.cmpi ne, %sign3A_71, %sign3A_78 : i32
        %rem3A = arith.remsi %scan3A_65, %jit3A : i32
        %ne3A_79 = arith.constant 0 : i32
        %ne3A_80 = arith.cmpi ne, %rem3A, %ne3A_79 : i32
        %and3A = arith.andi %ne3A, %ne3A_80 : i1
        %sub3A = arith.constant 1 : i32
        %sub3A_81 = arith.subi %div3A, %sub3A : i32
        %select_n3A = arith.select %and3A, %sub3A_81, %div3A : i32
        %jit3A_82 = arith.constant 8 : i32
        %eq3A = arith.constant 0 : i32
        %eq3A_83 = arith.cmpi eq, %jit3A_82, %eq3A : i32
        %jit3A_84 = arith.constant 1 : i32
        %select_n3A_85 = arith.select %eq3A_83, %jit3A_84, %jit3A_82 : i32
        %rem3A_86 = arith.remsi %scan3A_65, %select_n3A_85 : i32
        %ne3A_87 = arith.constant 0 : i32
        %ne3A_88 = arith.cmpi ne, %rem3A_86, %ne3A_87 : i32
        %lt3A_89 = arith.constant 0 : i32
        %lt3A_90 = arith.cmpi slt, %rem3A_86, %lt3A_89 : i32
        %lt3A_91 = arith.constant 0 : i32
        %lt3A_92 = arith.cmpi slt, %select_n3A_85, %lt3A_91 : i32
        %ne3A_93 = arith.xori %lt3A_90, %lt3A_92 : i1
        %and3A_94 = arith.andi %ne3A_93, %ne3A_88 : i1
        %add3A_95 = arith.addi %rem3A_86, %select_n3A_85 : i32
        %select_n3A_96 = arith.select %and3A_94, %add3A_95, %rem3A_86 : i32
        %mul3A_97 = arith.constant 16 : i32
        %mul3A_98 = arith.muli %select_n3A_96, %mul3A_97 : i32
        %swap3A = arith.index_cast %select_n3A : i32 to index
        %swap3A_99 = arith.index_cast %mul3A_98 : i32 to index
        %swap3A_100 = tpu.vector_load %arg15[%swap3A, %swap3A_99] {strides = array<i32>} : memref<8x128xf32, #tpu.memory_space<vmem>>, vector<1x16xf32>,
        %swap3A_101 = vector.shape_cast %swap3A_100 : vector<1x16xf32> to vector<16xf32>
        %swap3A_102 = vector.shape_cast %broadcast_in_dim3A_26 : vector<16xf32> to vector<1x16xf32>
        tpu.vector_store %arg15[%swap3A, %swap3A_99], %swap3A_102 {strides = array<i32>} : memref<8x128xf32, #tpu.memory_space<vmem>>, vector<1x16xf32>,
      }
      %scan3A_62 = arith.constant 64 : i32
      %mul3A_63 = arith.constant 8 : i32
      %mul3A_64 = arith.muli %arg1, %mul3A_63 : i32
      "tpu.region"() ({
        %run_scoped3A = tpu.sem_alloc : memref<!tpu.dma_semaphore, #tpu.memory_space<semaphore_mem>>
        %dma_start3A_65 = arith.constant 0 : i32
        %dma_start3A_66 = tpu.memref_slice %arg16[%mul3A_64, %dma_start3A_65] : memref<104x128xf32, #tpu.memory_space<vmem_shared>> -> memref<8x128xf32, #tpu.memory_space<vmem_shared>>
        %dma_start3A_67 = arith.constant 0 : i32
        %dma_start3A_68 = tpu.memref_slice %arg16[%mul3A_64, %dma_start3A_67] : memref<104x128xf32, #tpu.memory_space<vmem_shared>> -> memref<8x128xf32, #tpu.memory_space<vmem_shared>>
        tpu.enqueue_dma source(%arg15 : memref<8x128xf32, #tpu.memory_space<vmem>>) target(%dma_start3A_68 : memref<8x128xf32, #tpu.memory_space<vmem_shared>>) target_semaphore(%run_scoped3A : memref<!tpu.dma_semaphore, #tpu.memory_space<semaphore_mem>>)
        %dma_wait3A_69 = arith.constant 0 : i32
        %dma_wait3A_70 = tpu.memref_slice %arg16[%mul3A_64, %dma_wait3A_69] : memref<104x128xf32, #tpu.memory_space<vmem_shared>> -> memref<8x128xf32, #tpu.memory_space<vmem_shared>>
        %dma_wait3A_71 = arith.constant 0 : i32
        %dma_wait3A_72 = tpu.memref_slice %arg16[%mul3A_64, %dma_wait3A_71] : memref<104x128xf32, #tpu.memory_space<vmem_shared>> -> memref<8x128xf32, #tpu.memory_space<vmem_shared>>
        tpu.wait_dma2 semaphore(%run_scoped3A : memref<!tpu.dma_semaphore, #tpu.memory_space<semaphore_mem>>) src(%arg15 : memref<8x128xf32, #tpu.memory_space<vmem>>) dst(%dma_wait3A_72 : memref<8x128xf32, #tpu.memory_space<vmem_shared>>)
        tpu.yield
      }) : () -> ()
    } else {
    }
    %barrier3A = arith.constant 0 : index
    tpu.barrier barrier_id(%barrier3A)
    %scan3A = arith.constant 0 : i32
    %scan3A_29 = arith.constant 0 : i32
    %scan3A_30 = arith.constant 20 : i32
    %scan3A_31 = arith.addi %scan3A_29, %scan3A_30 : i32
    %scan3A_32 = arith.constant 1 : i32
    scf.for %scan3A_57 = %scan3A_29 to %scan3A_31 step %scan3A_32  : i32 {
      %mul3A_58 = arith.constant 4 : i32
      %mul3A_59 = arith.muli %mul3A_58, %scan3A_57 : i32
      %add3A_60 = arith.constant 0 : i32
      %add3A_61 = arith.addi %mul3A_59, %add3A_60 : i32
      %lt3A_62 = arith.constant 78 : i32
      %lt3A_63 = arith.cmpi slt, %add3A_61, %lt3A_62 : i32
      %convert_element_type3A_64 = arith.extui %lt3A_63 : i1 to i32
      %cond3A_65 = arith.constant 0 : i32
      %cond3A_66 = arith.cmpi ne, %convert_element_type3A_64, %cond3A_65 : i32
      scf.if %cond3A_66 {
        %ge3A = arith.constant 2 : i32
        %ge3A_94 = arith.cmpi sge, %add3A_61, %ge3A : i32
        %add3A_95 = arith.constant 2 : i32
        %add3A_96 = arith.addi %add3A_61, %add3A_95 : i32
        %lt3A_97 = arith.constant 78 : i32
        %lt3A_98 = arith.cmpi slt, %add3A_96, %lt3A_97 : i32
        %and3A = arith.andi %ge3A_94, %lt3A_98 : i1
        %convert_element_type3A_99 = arith.extui %and3A : i1 to i32
        %cond3A_100 = arith.constant 0 : i32
        %cond3A_101 = arith.cmpi ne, %convert_element_type3A_99, %cond3A_100 : i32
        scf.if %cond3A_101 {
          %dma_wait3A_121 = arith.constant 0 : i32
          %dma_wait3A_122 = arith.constant 0 : i32
          %dma_wait3A_123 = tpu.memref_slice %arg16[%dma_wait3A_121, %dma_wait3A_122] : memref<104x128xf32, #tpu.memory_space<vmem_shared>> -> memref<104x128xf32, #tpu.memory_space<vmem_shared>>
          tpu.wait_indirect_dma semaphore(%arg23 : memref<!tpu.dma_semaphore, #tpu.memory_space<semaphore_mem>>) src(%arg7 : memref<128x128xf32, #tpu.memory_space<vmem>>) dst(%dma_wait3A_123 : memref<104x128xf32, #tpu.memory_space<vmem_shared>>)
        } else {
        }
        %add3A_102 = arith.constant 2 : i32
        %add3A_103 = arith.addi %add3A_61, %add3A_102 : i32
        %lt3A_104 = arith.constant 78 : i32
        %lt3A_105 = arith.cmpi slt, %add3A_103, %lt3A_104 : i32
        %convert_element_type3A_106 = arith.extui %lt3A_105 : i1 to i32
        %cond3A_107 = arith.constant 0 : i32
        %cond3A_108 = arith.cmpi ne, %convert_element_type3A_106, %cond3A_107 : i32
        scf.if %cond3A_108 {
          %add3A_121 = arith.constant 2 : i32
          %add3A_122 = arith.addi %add3A_61, %add3A_121 : i32
          %mul3A_123 = arith.constant 128 : i32
          %mul3A_124 = arith.muli %add3A_122, %mul3A_123 : i32
          %add3A_125 = arith.addi %mul3A_2, %mul3A_124 : i32
          %dma_start3A_126 = tpu.memref_slice %arg3[%add3A_125] : memref<320000xi32, #tpu.memory_space<hbm>> -> memref<128xi32, #tpu.memory_space<hbm>>
          %dma_start3A_127 = tpu.memref_slice %arg3[%add3A_125] : memref<320000xi32, #tpu.memory_space<hbm>> -> memref<128xi32, #tpu.memory_space<hbm>>
          tpu.enqueue_dma source(%dma_start3A_127 : memref<128xi32, #tpu.memory_space<hbm>>) target(%arg11 : memref<128xi32, #tpu.memory_space<vmem>>) target_semaphore(%arg19 : memref<!tpu.dma_semaphore, #tpu.memory_space<semaphore_mem>>)
          %dma_start3A_128 = arith.constant 0 : i32
          %dma_start3A_129 = tpu.memref_slice %arg2[%add3A_125, %dma_start3A_128] : memref<320000x128xf32, #tpu.memory_space<hbm>> -> memref<128x128xf32, #tpu.memory_space<hbm>>
          %dma_start3A_130 = arith.constant 0 : i32
          %dma_start3A_131 = tpu.memref_slice %arg2[%add3A_125, %dma_start3A_130] : memref<320000x128xf32, #tpu.memory_space<hbm>> -> memref<128x128xf32, #tpu.memory_space<hbm>>
          tpu.enqueue_dma source(%dma_start3A_131 : memref<128x128xf32, #tpu.memory_space<hbm>>) target(%arg7 : memref<128x128xf32, #tpu.memory_space<vmem>>) target_semaphore(%arg19 : memref<!tpu.dma_semaphore, #tpu.memory_space<semaphore_mem>>)
        } else {
        }
        %mul3A_109 = arith.constant 128 : i32
        %mul3A_110 = arith.muli %add3A_61, %mul3A_109 : i32
        %add3A_111 = arith.addi %mul3A_2, %mul3A_110 : i32
        %dma_wait3A_112 = tpu.memref_slice %arg3[%add3A_111] : memref<320000xi32, #tpu.memory_space<hbm>> -> memref<128xi32, #tpu.memory_space<hbm>>
        %dma_wait3A_113 = tpu.memref_slice %arg3[%add3A_111] : memref<320000xi32, #tpu.memory_space<hbm>> -> memref<128xi32, #tpu.memory_space<hbm>>
        tpu.wait_dma2 semaphore(%arg17 : memref<!tpu.dma_semaphore, #tpu.memory_space<semaphore_mem>>) src(%dma_wait3A_113 : memref<128xi32, #tpu.memory_space<hbm>>) dst(%arg9 : memref<128xi32, #tpu.memory_space<vmem>>)
        %dma_wait3A_114 = arith.constant 0 : i32
        %dma_wait3A_115 = tpu.memref_slice %arg2[%add3A_111, %dma_wait3A_114] : memref<320000x128xf32, #tpu.memory_space<hbm>> -> memref<128x128xf32, #tpu.memory_space<hbm>>
        %dma_wait3A_116 = arith.constant 0 : i32
        %dma_wait3A_117 = tpu.memref_slice %arg2[%add3A_111, %dma_wait3A_116] : memref<320000x128xf32, #tpu.memory_space<hbm>> -> memref<128x128xf32, #tpu.memory_space<hbm>>
        tpu.wait_dma2 semaphore(%arg17 : memref<!tpu.dma_semaphore, #tpu.memory_space<semaphore_mem>>) src(%dma_wait3A_117 : memref<128x128xf32, #tpu.memory_space<hbm>>) dst(%arg5 : memref<128x128xf32, #tpu.memory_space<vmem>>)
        %dma_start3A_118 = arith.constant 0 : i32
        %dma_start3A_119 = arith.constant 0 : i32
        %dma_start3A_120 = tpu.memref_slice %arg16[%dma_start3A_118, %dma_start3A_119] : memref<104x128xf32, #tpu.memory_space<vmem_shared>> -> memref<104x128xf32, #tpu.memory_space<vmem_shared>>
        tpu.enqueue_indirect_dma source(%arg5 : memref<128x128xf32, #tpu.memory_space<vmem>>) target(%dma_start3A_120 : memref<104x128xf32, #tpu.memory_space<vmem_shared>>) offsets(%arg9 : memref<128xi32, #tpu.memory_space<vmem>>) semaphore(%arg21 : memref<!tpu.dma_semaphore, #tpu.memory_space<semaphore_mem>>) {add = true}
      } else {
      }
      %mul3A_67 = arith.constant 4 : i32
      %mul3A_68 = arith.muli %mul3A_67, %scan3A_57 : i32
      %add3A_69 = arith.constant 1 : i32
      %add3A_70 = arith.addi %mul3A_68, %add3A_69 : i32
      %lt3A_71 = arith.constant 78 : i32
      %lt3A_72 = arith.cmpi slt, %add3A_70, %lt3A_71 : i32
      %convert_element_type3A_73 = arith.extui %lt3A_72 : i1 to i32
      %cond3A_74 = arith.constant 0 : i32
      %cond3A_75 = arith.cmpi ne, %convert_element_type3A_73, %cond3A_74 : i32
      scf.if %cond3A_75 {
        %ge3A = arith.constant 2 : i32
        %ge3A_94 = arith.cmpi sge, %add3A_70, %ge3A : i32
        %add3A_95 = arith.constant 2 : i32
        %add3A_96 = arith.addi %add3A_70, %add3A_95 : i32
        %lt3A_97 = arith.constant 78 : i32
        %lt3A_98 = arith.cmpi slt, %add3A_96, %lt3A_97 : i32
        %and3A = arith.andi %ge3A_94, %lt3A_98 : i1
        %convert_element_type3A_99 = arith.extui %and3A : i1 to i32
        %cond3A_100 = arith.constant 0 : i32
        %cond3A_101 = arith.cmpi ne, %convert_element_type3A_99, %cond3A_100 : i32
        scf.if %cond3A_101 {
          %dma_wait3A_121 = arith.constant 0 : i32
          %dma_wait3A_122 = arith.constant 0 : i32
          %dma_wait3A_123 = tpu.memref_slice %arg16[%dma_wait3A_121, %dma_wait3A_122] : memref<104x128xf32, #tpu.memory_space<vmem_shared>> -> memref<104x128xf32, #tpu.memory_space<vmem_shared>>
          tpu.wait_indirect_dma semaphore(%arg24 : memref<!tpu.dma_semaphore, #tpu.memory_space<semaphore_mem>>) src(%arg8 : memref<128x128xf32, #tpu.memory_space<vmem>>) dst(%dma_wait3A_123 : memref<104x128xf32, #tpu.memory_space<vmem_shared>>)
        } else {
        }
        %add3A_102 = arith.constant 2 : i32
        %add3A_103 = arith.addi %add3A_70, %add3A_102 : i32
        %lt3A_104 = arith.constant 78 : i32
        %lt3A_105 = arith.cmpi slt, %add3A_103, %lt3A_104 : i32
        %convert_element_type3A_106 = arith.extui %lt3A_105 : i1 to i32
        %cond3A_107 = arith.constant 0 : i32
        %cond3A_108 = arith.cmpi ne, %convert_element_type3A_106, %cond3A_107 : i32
        scf.if %cond3A_108 {
          %add3A_121 = arith.constant 2 : i32
          %add3A_122 = arith.addi %add3A_70, %add3A_121 : i32
          %mul3A_123 = arith.constant 128 : i32
          %mul3A_124 = arith.muli %add3A_122, %mul3A_123 : i32
          %add3A_125 = arith.addi %mul3A_2, %mul3A_124 : i32
          %dma_start3A_126 = tpu.memref_slice %arg3[%add3A_125] : memref<320000xi32, #tpu.memory_space<hbm>> -> memref<128xi32, #tpu.memory_space<hbm>>
          %dma_start3A_127 = tpu.memref_slice %arg3[%add3A_125] : memref<320000xi32, #tpu.memory_space<hbm>> -> memref<128xi32, #tpu.memory_space<hbm>>
          tpu.enqueue_dma source(%dma_start3A_127 : memref<128xi32, #tpu.memory_space<hbm>>) target(%arg12 : memref<128xi32, #tpu.memory_space<vmem>>) target_semaphore(%arg20 : memref<!tpu.dma_semaphore, #tpu.memory_space<semaphore_mem>>)
          %dma_start3A_128 = arith.constant 0 : i32
          %dma_start3A_129 = tpu.memref_slice %arg2[%add3A_125, %dma_start3A_128] : memref<320000x128xf32, #tpu.memory_space<hbm>> -> memref<128x128xf32, #tpu.memory_space<hbm>>
          %dma_start3A_130 = arith.constant 0 : i32
          %dma_start3A_131 = tpu.memref_slice %arg2[%add3A_125, %dma_start3A_130] : memref<320000x128xf32, #tpu.memory_space<hbm>> -> memref<128x128xf32, #tpu.memory_space<hbm>>
          tpu.enqueue_dma source(%dma_start3A_131 : memref<128x128xf32, #tpu.memory_space<hbm>>) target(%arg8 : memref<128x128xf32, #tpu.memory_space<vmem>>) target_semaphore(%arg20 : memref<!tpu.dma_semaphore, #tpu.memory_space<semaphore_mem>>)
        } else {
        }
        %mul3A_109 = arith.constant 128 : i32
        %mul3A_110 = arith.muli %add3A_70, %mul3A_109 : i32
        %add3A_111 = arith.addi %mul3A_2, %mul3A_110 : i32
        %dma_wait3A_112 = tpu.memref_slice %arg3[%add3A_111] : memref<320000xi32, #tpu.memory_space<hbm>> -> memref<128xi32, #tpu.memory_space<hbm>>
        %dma_wait3A_113 = tpu.memref_slice %arg3[%add3A_111] : memref<320000xi32, #tpu.memory_space<hbm>> -> memref<128xi32, #tpu.memory_space<hbm>>
        tpu.wait_dma2 semaphore(%arg18 : memref<!tpu.dma_semaphore, #tpu.memory_space<semaphore_mem>>) src(%dma_wait3A_113 : memref<128xi32, #tpu.memory_space<hbm>>) dst(%arg10 : memref<128xi32, #tpu.memory_space<vmem>>)
        %dma_wait3A_114 = arith.constant 0 : i32
        %dma_wait3A_115 = tpu.memref_slice %arg2[%add3A_111, %dma_wait3A_114] : memref<320000x128xf32, #tpu.memory_space<hbm>> -> memref<128x128xf32, #tpu.memory_space<hbm>>
        %dma_wait3A_116 = arith.constant 0 : i32
        %dma_wait3A_117 = tpu.memref_slice %arg2[%add3A_111, %dma_wait3A_116] : memref<320000x128xf32, #tpu.memory_space<hbm>> -> memref<128x128xf32, #tpu.memory_space<hbm>>
        tpu.wait_dma2 semaphore(%arg18 : memref<!tpu.dma_semaphore, #tpu.memory_space<semaphore_mem>>) src(%dma_wait3A_117 : memref<128x128xf32, #tpu.memory_space<hbm>>) dst(%arg6 : memref<128x128xf32, #tpu.memory_space<vmem>>)
        %dma_start3A_118 = arith.constant 0 : i32
        %dma_start3A_119 = arith.constant 0 : i32
        %dma_start3A_120 = tpu.memref_slice %arg16[%dma_start3A_118, %dma_start3A_119] : memref<104x128xf32, #tpu.memory_space<vmem_shared>> -> memref<104x128xf32, #tpu.memory_space<vmem_shared>>
        tpu.enqueue_indirect_dma source(%arg6 : memref<128x128xf32, #tpu.memory_space<vmem>>) target(%dma_start3A_120 : memref<104x128xf32, #tpu.memory_space<vmem_shared>>) offsets(%arg10 : memref<128xi32, #tpu.memory_space<vmem>>) semaphore(%arg22 : memref<!tpu.dma_semaphore, #tpu.memory_space<semaphore_mem>>) {add = true}
      } else {
      }
      %mul3A_76 = arith.constant 4 : i32
      %mul3A_77 = arith.muli %mul3A_76, %scan3A_57 : i32
      %add3A_78 = arith.constant 2 : i32
      %add3A_79 = arith.addi %mul3A_77, %add3A_78 : i32
      %lt3A_80 = arith.constant 78 : i32
      %lt3A_81 = arith.cmpi slt, %add3A_79, %lt3A_80 : i32
      %convert_element_type3A_82 = arith.extui %lt3A_81 : i1 to i32
      %cond3A_83 = arith.constant 0 : i32
      %cond3A_84 = arith.cmpi ne, %convert_element_type3A_82, %cond3A_83 : i32
      scf.if %cond3A_84 {
        %ge3A = arith.constant 2 : i32
        %ge3A_94 = arith.cmpi sge, %add3A_79, %ge3A : i32
        %add3A_95 = arith.constant 2 : i32
        %add3A_96 = arith.addi %add3A_79, %add3A_95 : i32
        %lt3A_97 = arith.constant 78 : i32
        %lt3A_98 = arith.cmpi slt, %add3A_96, %lt3A_97 : i32
        %and3A = arith.andi %ge3A_94, %lt3A_98 : i1
        %convert_element_type3A_99 = arith.extui %and3A : i1 to i32
        %cond3A_100 = arith.constant 0 : i32
        %cond3A_101 = arith.cmpi ne, %convert_element_type3A_99, %cond3A_100 : i32
        scf.if %cond3A_101 {
          %dma_wait3A_121 = arith.constant 0 : i32
          %dma_wait3A_122 = arith.constant 0 : i32
          %dma_wait3A_123 = tpu.memref_slice %arg16[%dma_wait3A_121, %dma_wait3A_122] : memref<104x128xf32, #tpu.memory_space<vmem_shared>> -> memref<104x128xf32, #tpu.memory_space<vmem_shared>>
          tpu.wait_indirect_dma semaphore(%arg21 : memref<!tpu.dma_semaphore, #tpu.memory_space<semaphore_mem>>) src(%arg5 : memref<128x128xf32, #tpu.memory_space<vmem>>) dst(%dma_wait3A_123 : memref<104x128xf32, #tpu.memory_space<vmem_shared>>)
        } else {
        }
        %add3A_102 = arith.constant 2 : i32
        %add3A_103 = arith.addi %add3A_79, %add3A_102 : i32
        %lt3A_104 = arith.constant 78 : i32
        %lt3A_105 = arith.cmpi slt, %add3A_103, %lt3A_104 : i32
        %convert_element_type3A_106 = arith.extui %lt3A_105 : i1 to i32
        %cond3A_107 = arith.constant 0 : i32
        %cond3A_108 = arith.cmpi ne, %convert_element_type3A_106, %cond3A_107 : i32
        scf.if %cond3A_108 {
          %add3A_121 = arith.constant 2 : i32
          %add3A_122 = arith.addi %add3A_79, %add3A_121 : i32
          %mul3A_123 = arith.constant 128 : i32
          %mul3A_124 = arith.muli %add3A_122, %mul3A_123 : i32
          %add3A_125 = arith.addi %mul3A_2, %mul3A_124 : i32
          %dma_start3A_126 = tpu.memref_slice %arg3[%add3A_125] : memref<320000xi32, #tpu.memory_space<hbm>> -> memref<128xi32, #tpu.memory_space<hbm>>
          %dma_start3A_127 = tpu.memref_slice %arg3[%add3A_125] : memref<320000xi32, #tpu.memory_space<hbm>> -> memref<128xi32, #tpu.memory_space<hbm>>
          tpu.enqueue_dma source(%dma_start3A_127 : memref<128xi32, #tpu.memory_space<hbm>>) target(%arg9 : memref<128xi32, #tpu.memory_space<vmem>>) target_semaphore(%arg17 : memref<!tpu.dma_semaphore, #tpu.memory_space<semaphore_mem>>)
          %dma_start3A_128 = arith.constant 0 : i32
          %dma_start3A_129 = tpu.memref_slice %arg2[%add3A_125, %dma_start3A_128] : memref<320000x128xf32, #tpu.memory_space<hbm>> -> memref<128x128xf32, #tpu.memory_space<hbm>>
          %dma_start3A_130 = arith.constant 0 : i32
          %dma_start3A_131 = tpu.memref_slice %arg2[%add3A_125, %dma_start3A_130] : memref<320000x128xf32, #tpu.memory_space<hbm>> -> memref<128x128xf32, #tpu.memory_space<hbm>>
          tpu.enqueue_dma source(%dma_start3A_131 : memref<128x128xf32, #tpu.memory_space<hbm>>) target(%arg5 : memref<128x128xf32, #tpu.memory_space<vmem>>) target_semaphore(%arg17 : memref<!tpu.dma_semaphore, #tpu.memory_space<semaphore_mem>>)
        } else {
        }
        %mul3A_109 = arith.constant 128 : i32
        %mul3A_110 = arith.muli %add3A_79, %mul3A_109 : i32
        %add3A_111 = arith.addi %mul3A_2, %mul3A_110 : i32
        %dma_wait3A_112 = tpu.memref_slice %arg3[%add3A_111] : memref<320000xi32, #tpu.memory_space<hbm>> -> memref<128xi32, #tpu.memory_space<hbm>>
        %dma_wait3A_113 = tpu.memref_slice %arg3[%add3A_111] : memref<320000xi32, #tpu.memory_space<hbm>> -> memref<128xi32, #tpu.memory_space<hbm>>
        tpu.wait_dma2 semaphore(%arg19 : memref<!tpu.dma_semaphore, #tpu.memory_space<semaphore_mem>>) src(%dma_wait3A_113 : memref<128xi32, #tpu.memory_space<hbm>>) dst(%arg11 : memref<128xi32, #tpu.memory_space<vmem>>)
        %dma_wait3A_114 = arith.constant 0 : i32
        %dma_wait3A_115 = tpu.memref_slice %arg2[%add3A_111, %dma_wait3A_114] : memref<320000x128xf32, #tpu.memory_space<hbm>> -> memref<128x128xf32, #tpu.memory_space<hbm>>
        %dma_wait3A_116 = arith.constant 0 : i32
        %dma_wait3A_117 = tpu.memref_slice %arg2[%add3A_111, %dma_wait3A_116] : memref<320000x128xf32, #tpu.memory_space<hbm>> -> memref<128x128xf32, #tpu.memory_space<hbm>>
        tpu.wait_dma2 semaphore(%arg19 : memref<!tpu.dma_semaphore, #tpu.memory_space<semaphore_mem>>) src(%dma_wait3A_117 : memref<128x128xf32, #tpu.memory_space<hbm>>) dst(%arg7 : memref<128x128xf32, #tpu.memory_space<vmem>>)
        %dma_start3A_118 = arith.constant 0 : i32
        %dma_start3A_119 = arith.constant 0 : i32
        %dma_start3A_120 = tpu.memref_slice %arg16[%dma_start3A_118, %dma_start3A_119] : memref<104x128xf32, #tpu.memory_space<vmem_shared>> -> memref<104x128xf32, #tpu.memory_space<vmem_shared>>
        tpu.enqueue_indirect_dma source(%arg7 : memref<128x128xf32, #tpu.memory_space<vmem>>) target(%dma_start3A_120 : memref<104x128xf32, #tpu.memory_space<vmem_shared>>) offsets(%arg11 : memref<128xi32, #tpu.memory_space<vmem>>) semaphore(%arg23 : memref<!tpu.dma_semaphore, #tpu.memory_space<semaphore_mem>>) {add = true}
      } else {
      }
      %mul3A_85 = arith.constant 4 : i32
      %mul3A_86 = arith.muli %mul3A_85, %scan3A_57 : i32
      %add3A_87 = arith.constant 3 : i32
      %add3A_88 = arith.addi %mul3A_86, %add3A_87 : i32
      %lt3A_89 = arith.constant 78 : i32
      %lt3A_90 = arith.cmpi slt, %add3A_88, %lt3A_89 : i32
      %convert_element_type3A_91 = arith.extui %lt3A_90 : i1 to i32
      %cond3A_92 = arith.constant 0 : i32
      %cond3A_93 = arith.cmpi ne, %convert_element_type3A_91, %cond3A_92 : i32
      scf.if %cond3A_93 {
        %ge3A = arith.constant 2 : i32
        %ge3A_94 = arith.cmpi sge, %add3A_88, %ge3A : i32
        %add3A_95 = arith.constant 2 : i32
        %add3A_96 = arith.addi %add3A_88, %add3A_95 : i32
        %lt3A_97 = arith.constant 78 : i32
        %lt3A_98 = arith.cmpi slt, %add3A_96, %lt3A_97 : i32
        %and3A = arith.andi %ge3A_94, %lt3A_98 : i1
        %convert_element_type3A_99 = arith.extui %and3A : i1 to i32
        %cond3A_100 = arith.constant 0 : i32
        %cond3A_101 = arith.cmpi ne, %convert_element_type3A_99, %cond3A_100 : i32
        scf.if %cond3A_101 {
          %dma_wait3A_121 = arith.constant 0 : i32
          %dma_wait3A_122 = arith.constant 0 : i32
          %dma_wait3A_123 = tpu.memref_slice %arg16[%dma_wait3A_121, %dma_wait3A_122] : memref<104x128xf32, #tpu.memory_space<vmem_shared>> -> memref<104x128xf32, #tpu.memory_space<vmem_shared>>
          tpu.wait_indirect_dma semaphore(%arg22 : memref<!tpu.dma_semaphore, #tpu.memory_space<semaphore_mem>>) src(%arg6 : memref<128x128xf32, #tpu.memory_space<vmem>>) dst(%dma_wait3A_123 : memref<104x128xf32, #tpu.memory_space<vmem_shared>>)
        } else {
        }
        %add3A_102 = arith.constant 2 : i32
        %add3A_103 = arith.addi %add3A_88, %add3A_102 : i32
        %lt3A_104 = arith.constant 78 : i32
        %lt3A_105 = arith.cmpi slt, %add3A_103, %lt3A_104 : i32
        %convert_element_type3A_106 = arith.extui %lt3A_105 : i1 to i32
        %cond3A_107 = arith.constant 0 : i32
        %cond3A_108 = arith.cmpi ne, %convert_element_type3A_106, %cond3A_107 : i32
        scf.if %cond3A_108 {
          %add3A_121 = arith.constant 2 : i32
          %add3A_122 = arith.addi %add3A_88, %add3A_121 : i32
          %mul3A_123 = arith.constant 128 : i32
          %mul3A_124 = arith.muli %add3A_122, %mul3A_123 : i32
          %add3A_125 = arith.addi %mul3A_2, %mul3A_124 : i32
          %dma_start3A_126 = tpu.memref_slice %arg3[%add3A_125] : memref<320000xi32, #tpu.memory_space<hbm>> -> memref<128xi32, #tpu.memory_space<hbm>>
          %dma_start3A_127 = tpu.memref_slice %arg3[%add3A_125] : memref<320000xi32, #tpu.memory_space<hbm>> -> memref<128xi32, #tpu.memory_space<hbm>>
          tpu.enqueue_dma source(%dma_start3A_127 : memref<128xi32, #tpu.memory_space<hbm>>) target(%arg10 : memref<128xi32, #tpu.memory_space<vmem>>) target_semaphore(%arg18 : memref<!tpu.dma_semaphore, #tpu.memory_space<semaphore_mem>>)
          %dma_start3A_128 = arith.constant 0 : i32
          %dma_start3A_129 = tpu.memref_slice %arg2[%add3A_125, %dma_start3A_128] : memref<320000x128xf32, #tpu.memory_space<hbm>> -> memref<128x128xf32, #tpu.memory_space<hbm>>
          %dma_start3A_130 = arith.constant 0 : i32
          %dma_start3A_131 = tpu.memref_slice %arg2[%add3A_125, %dma_start3A_130] : memref<320000x128xf32, #tpu.memory_space<hbm>> -> memref<128x128xf32, #tpu.memory_space<hbm>>
          tpu.enqueue_dma source(%dma_start3A_131 : memref<128x128xf32, #tpu.memory_space<hbm>>) target(%arg6 : memref<128x128xf32, #tpu.memory_space<vmem>>) target_semaphore(%arg18 : memref<!tpu.dma_semaphore, #tpu.memory_space<semaphore_mem>>)
        } else {
        }
        %mul3A_109 = arith.constant 128 : i32
        %mul3A_110 = arith.muli %add3A_88, %mul3A_109 : i32
        %add3A_111 = arith.addi %mul3A_2, %mul3A_110 : i32
        %dma_wait3A_112 = tpu.memref_slice %arg3[%add3A_111] : memref<320000xi32, #tpu.memory_space<hbm>> -> memref<128xi32, #tpu.memory_space<hbm>>
        %dma_wait3A_113 = tpu.memref_slice %arg3[%add3A_111] : memref<320000xi32, #tpu.memory_space<hbm>> -> memref<128xi32, #tpu.memory_space<hbm>>
        tpu.wait_dma2 semaphore(%arg20 : memref<!tpu.dma_semaphore, #tpu.memory_space<semaphore_mem>>) src(%dma_wait3A_113 : memref<128xi32, #tpu.memory_space<hbm>>) dst(%arg12 : memref<128xi32, #tpu.memory_space<vmem>>)
        %dma_wait3A_114 = arith.constant 0 : i32
        %dma_wait3A_115 = tpu.memref_slice %arg2[%add3A_111, %dma_wait3A_114] : memref<320000x128xf32, #tpu.memory_space<hbm>> -> memref<128x128xf32, #tpu.memory_space<hbm>>
        %dma_wait3A_116 = arith.constant 0 : i32
        %dma_wait3A_117 = tpu.memref_slice %arg2[%add3A_111, %dma_wait3A_116] : memref<320000x128xf32, #tpu.memory_space<hbm>> -> memref<128x128xf32, #tpu.memory_space<hbm>>
        tpu.wait_dma2 semaphore(%arg20 : memref<!tpu.dma_semaphore, #tpu.memory_space<semaphore_mem>>) src(%dma_wait3A_117 : memref<128x128xf32, #tpu.memory_space<hbm>>) dst(%arg8 : memref<128x128xf32, #tpu.memory_space<vmem>>)
        %dma_start3A_118 = arith.constant 0 : i32
        %dma_start3A_119 = arith.constant 0 : i32
        %dma_start3A_120 = tpu.memref_slice %arg16[%dma_start3A_118, %dma_start3A_119] : memref<104x128xf32, #tpu.memory_space<vmem_shared>> -> memref<104x128xf32, #tpu.memory_space<vmem_shared>>
        tpu.enqueue_indirect_dma source(%arg8 : memref<128x128xf32, #tpu.memory_space<vmem>>) target(%dma_start3A_120 : memref<104x128xf32, #tpu.memory_space<vmem_shared>>) offsets(%arg12 : memref<128xi32, #tpu.memory_space<vmem>>) semaphore(%arg24 : memref<!tpu.dma_semaphore, #tpu.memory_space<semaphore_mem>>) {add = true}
      } else {
      }
    }
    %scan3A_33 = arith.constant 20 : i32
    %dma_wait3A = arith.constant 0 : i32
    %dma_wait3A_34 = arith.constant 0 : i32
    %dma_wait3A_35 = tpu.memref_slice %arg16[%dma_wait3A, %dma_wait3A_34] : memref<104x128xf32, #tpu.memory_space<vmem_shared>> -> memref<104x128xf32, #tpu.memory_space<vmem_shared>>
    tpu.wait_indirect_dma semaphore(%arg23 : memref<!tpu.dma_semaphore, #tpu.memory_space<semaphore_mem>>) src(%arg7 : memref<128x128xf32, #tpu.memory_space<vmem>>) dst(%dma_wait3A_35 : memref<104x128xf32, #tpu.memory_space<vmem_shared>>)
    %dma_wait3A_36 = arith.constant 0 : i32
    %dma_wait3A_37 = arith.constant 0 : i32
    %dma_wait3A_38 = tpu.memref_slice %arg16[%dma_wait3A_36, %dma_wait3A_37] : memref<104x128xf32, #tpu.memory_space<vmem_shared>> -> memref<104x128xf32, #tpu.memory_space<vmem_shared>>
    tpu.wait_indirect_dma semaphore(%arg24 : memref<!tpu.dma_semaphore, #tpu.memory_space<semaphore_mem>>) src(%arg8 : memref<128x128xf32, #tpu.memory_space<vmem>>) dst(%dma_wait3A_38 : memref<104x128xf32, #tpu.memory_space<vmem_shared>>)
    %dma_wait3A_39 = arith.constant 0 : i32
    %dma_wait3A_40 = arith.constant 0 : i32
    %dma_wait3A_41 = tpu.memref_slice %arg16[%dma_wait3A_39, %dma_wait3A_40] : memref<104x128xf32, #tpu.memory_space<vmem_shared>> -> memref<104x128xf32, #tpu.memory_space<vmem_shared>>
    tpu.wait_indirect_dma semaphore(%arg21 : memref<!tpu.dma_semaphore, #tpu.memory_space<semaphore_mem>>) src(%arg5 : memref<128x128xf32, #tpu.memory_space<vmem>>) dst(%dma_wait3A_41 : memref<104x128xf32, #tpu.memory_space<vmem_shared>>)
    %dma_wait3A_42 = arith.constant 0 : i32
    %dma_wait3A_43 = arith.constant 0 : i32
    %dma_wait3A_44 = tpu.memref_slice %arg16[%dma_wait3A_42, %dma_wait3A_43] : memref<104x128xf32, #tpu.memory_space<vmem_shared>> -> memref<104x128xf32, #tpu.memory_space<vmem_shared>>
    tpu.wait_indirect_dma semaphore(%arg22 : memref<!tpu.dma_semaphore, #tpu.memory_space<semaphore_mem>>) src(%arg6 : memref<128x128xf32, #tpu.memory_space<vmem>>) dst(%dma_wait3A_44 : memref<104x128xf32, #tpu.memory_space<vmem_shared>>)
    %dma_wait3A_45 = tpu.memref_slice %arg3[%add3A_4] : memref<320000xi32, #tpu.memory_space<hbm>> -> memref<16xi32, #tpu.memory_space<hbm>>
    %dma_wait3A_46 = tpu.memref_slice %arg3[%add3A_4] : memref<320000xi32, #tpu.memory_space<hbm>> -> memref<16xi32, #tpu.memory_space<hbm>>
    tpu.wait_dma2 semaphore(%arg25 : memref<!tpu.dma_semaphore, #tpu.memory_space<semaphore_mem>>) src(%dma_wait3A_46 : memref<16xi32, #tpu.memory_space<hbm>>) dst(%arg14 : memref<16xi32, #tpu.memory_space<vmem>>)
    %dma_wait3A_47 = arith.constant 0 : i32
    %dma_wait3A_48 = tpu.memref_slice %arg2[%add3A_4, %dma_wait3A_47] : memref<320000x128xf32, #tpu.memory_space<hbm>> -> memref<16x128xf32, #tpu.memory_space<hbm>>
    %dma_wait3A_49 = arith.constant 0 : i32
    %dma_wait3A_50 = tpu.memref_slice %arg2[%add3A_4, %dma_wait3A_49] : memref<320000x128xf32, #tpu.memory_space<hbm>> -> memref<16x128xf32, #tpu.memory_space<hbm>>
    tpu.wait_dma2 semaphore(%arg25 : memref<!tpu.dma_semaphore, #tpu.memory_space<semaphore_mem>>) src(%dma_wait3A_50 : memref<16x128xf32, #tpu.memory_space<hbm>>) dst(%arg13 : memref<16x128xf32, #tpu.memory_space<vmem>>)
    "tpu.region"() ({
      %run_scoped3A = tpu.sem_alloc : memref<!tpu.dma_semaphore, #tpu.memory_space<semaphore_mem>>
      %dma_start3A_57 = arith.constant 0 : i32
      %dma_start3A_58 = arith.constant 0 : i32
      %dma_start3A_59 = tpu.memref_slice %arg16[%dma_start3A_57, %dma_start3A_58] : memref<104x128xf32, #tpu.memory_space<vmem_shared>> -> memref<104x128xf32, #tpu.memory_space<vmem_shared>>
      tpu.enqueue_indirect_dma source(%arg13 : memref<16x128xf32, #tpu.memory_space<vmem>>) target(%dma_start3A_59 : memref<104x128xf32, #tpu.memory_space<vmem_shared>>) offsets(%arg14 : memref<16xi32, #tpu.memory_space<vmem>>) semaphore(%run_scoped3A : memref<!tpu.dma_semaphore, #tpu.memory_space<semaphore_mem>>) {add = true}
      %dma_wait3A_60 = arith.constant 0 : i32
      %dma_wait3A_61 = arith.constant 0 : i32
      %dma_wait3A_62 = tpu.memref_slice %arg16[%dma_wait3A_60, %dma_wait3A_61] : memref<104x128xf32, #tpu.memory_space<vmem_shared>> -> memref<104x128xf32, #tpu.memory_space<vmem_shared>>
      tpu.wait_indirect_dma semaphore(%run_scoped3A : memref<!tpu.dma_semaphore, #tpu.memory_space<semaphore_mem>>) src(%arg13 : memref<16x128xf32, #tpu.memory_space<vmem>>) dst(%dma_wait3A_62 : memref<104x128xf32, #tpu.memory_space<vmem_shared>>)
      tpu.yield
    }) : () -> ()
    %barrier3A_51 = arith.constant 0 : index
    tpu.barrier barrier_id(%barrier3A_51)
    %lt3A_52 = arith.constant 13 : i32
    %lt3A_53 = arith.cmpi slt, %arg1, %lt3A_52 : i32
    %convert_element_type3A_54 = arith.extui %lt3A_53 : i1 to i32
    %cond3A_55 = arith.constant 0 : i32
    %cond3A_56 = arith.cmpi ne, %convert_element_type3A_54, %cond3A_55 : i32
    scf.if %cond3A_56 {
      %mul3A_57 = arith.constant 8 : i32
      %mul3A_58 = arith.muli %arg1, %mul3A_57 : i32
      %mul3A_59 = arith.constant 8 : i32
      %mul3A_60 = arith.muli %arg1, %mul3A_59 : i32
      "tpu.region"() ({
        %run_scoped3A = tpu.sem_alloc : memref<!tpu.dma_semaphore, #tpu.memory_space<semaphore_mem>>
        %dma_start3A_61 = arith.constant 0 : i32
        %dma_start3A_62 = tpu.memref_slice %arg4[%arg0, %mul3A_60, %dma_start3A_61] : memref<2x104x128xf32, #tpu.memory_space<hbm>> -> memref<1x8x128xf32, #tpu.memory_space<hbm>>
        %dma_start3A_63 = tpu.memref_squeeze %dma_start3A_62 : memref<1x8x128xf32, #tpu.memory_space<hbm>> -> memref<8x128xf32, #tpu.memory_space<hbm>>
        %dma_start3A_64 = arith.constant 0 : i32
        %dma_start3A_65 = tpu.memref_slice %arg16[%mul3A_58, %dma_start3A_64] : memref<104x128xf32, #tpu.memory_space<vmem_shared>> -> memref<8x128xf32, #tpu.memory_space<vmem_shared>>
        tpu.enqueue_dma source(%dma_start3A_65 : memref<8x128xf32, #tpu.memory_space<vmem_shared>>) target(%dma_start3A_63 : memref<8x128xf32, #tpu.memory_space<hbm>>) target_semaphore(%run_scoped3A : memref<!tpu.dma_semaphore, #tpu.memory_space<semaphore_mem>>)
        %dma_wait3A_66 = arith.constant 0 : i32
        %dma_wait3A_67 = tpu.memref_slice %arg4[%arg0, %mul3A_60, %dma_wait3A_66] : memref<2x104x128xf32, #tpu.memory_space<hbm>> -> memref<1x8x128xf32, #tpu.memory_space<hbm>>
        %dma_wait3A_68 = tpu.memref_squeeze %dma_wait3A_67 : memref<1x8x128xf32, #tpu.memory_space<hbm>> -> memref<8x128xf32, #tpu.memory_space<hbm>>
        %dma_wait3A_69 = arith.constant 0 : i32
        %dma_wait3A_70 = tpu.memref_slice %arg16[%mul3A_58, %dma_wait3A_69] : memref<104x128xf32, #tpu.memory_space<vmem_shared>> -> memref<8x128xf32, #tpu.memory_space<vmem_shared>>
        tpu.wait_dma2 semaphore(%run_scoped3A : memref<!tpu.dma_semaphore, #tpu.memory_space<semaphore_mem>>) src(%dma_wait3A_70 : memref<8x128xf32, #tpu.memory_space<vmem_shared>>) dst(%dma_wait3A_68 : memref<8x128xf32, #tpu.memory_space<hbm>>)
        tpu.yield
      }) : () -> ()
    } else {
    }
    return
  }
}

module attributes {stable_mosaic.version = 14 : i64} {
  func.func @_combine(%arg0: memref<2x104x128xf32, #tpu.memory_space<vmem>>, %arg1: memref<100x128xf32, #tpu.memory_space<vmem>>, %arg2: memref<100x128xf32, #tpu.memory_space<vmem>>) attributes {dimension_semantics = [], scalar_prefetch = 0 : i64, scratch_operands = 0 : i64, tpu.core_type = #tpu.core_type<tc>} {
    %get3A = arith.constant 0 : index
    %get3A_0 = arith.constant 0 : index
    %get3A_1 = vector.load %arg1[%get3A, %get3A_0] : memref<100x128xf32, #tpu.memory_space<vmem>>, vector<100x128xf32>
    %get3A_2 = arith.constant 0 : index
    %get3A_3 = arith.constant 0 : index
    %get3A_4 = arith.constant 0 : index
    %get3A_5 = vector.load %arg0[%get3A_2, %get3A_3, %get3A_4] : memref<2x104x128xf32, #tpu.memory_space<vmem>>, vector<1x100x128xf32>
    %get3A_6 = vector.shape_cast %get3A_5 : vector<1x100x128xf32> to vector<100x128xf32>
    %add3A = arith.addf %get3A_1, %get3A_6 : vector<100x128xf32>
    %get3A_7 = arith.constant 1 : index
    %get3A_8 = arith.constant 0 : index
    %get3A_9 = arith.constant 0 : index
    %get3A_10 = vector.load %arg0[%get3A_7, %get3A_8, %get3A_9] : memref<2x104x128xf32, #tpu.memory_space<vmem>>, vector<1x100x128xf32>
    %get3A_11 = vector.shape_cast %get3A_10 : vector<1x100x128xf32> to vector<100x128xf32>
    %add3A_12 = arith.addf %add3A, %get3A_11 : vector<100x128xf32>
    %swap3A = arith.constant 0 : index
    %swap3A_13 = arith.constant 0 : index
    %swap3A_14 = vector.load %arg2[%swap3A, %swap3A_13] : memref<100x128xf32, #tpu.memory_space<vmem>>, vector<100x128xf32>
    tpu.vector_store %arg2[%swap3A, %swap3A_13], %add3A_12 {strides = array<i32>} : memref<100x128xf32, #tpu.memory_space<vmem>>, vector<100x128xf32>,
    return
  }
}

</mosaic_0001>

<sc_bundles>
// kernel: kernel.4.cloned.1.call-start
scs
__scs_entry_jumppad:
0x0: {  	(pc) =	sbr.rel $0x88, $3  }
0x1: {  	(tag) =	ssettag $0x0;
	lr =	simm.s32 $0x1  }
0x2: {  	[smem:$0x3F9E] =	sst lr;
	_ =	strace $0xD0000000  }
0x3: {  	_ = 	snop  }
0x4: {  	_ = 	snop  }
0x5: {  	_ = 	snop  }
0x6: {  	_ = 	snop  }
0x7: {  	_ = 	snop  }
__scs_overlays_trampoline_lowered:
0x8: {  	[smem:$0x3FAD] =	sst s0  }
0x9: {  	[smem:$0x3FAE] =	sst s1  }
0xa: {  	[smem:$0x3FAF] =	sst s2  }
0xb: {  	[smem:$0x3FB0] =	sst s3  }
0xc: {  	[smem:$0x3FB1] =	sst s4  }
0xd: {  	[smem:$0x3FB2] =	sst s5  }
0xe: {  	[smem:$0x3FB3] =	sst s6  }
0xf: {  	[smem:$0x3FB4] =	sst s7  }
0x10: {  	[smem:$0x3FB5] =	sst s8  }
0x11: {  	[smem:$0x3FB6] =	sst s9;
	s0 =	simm.s32 @!p0 $0x0  }
0x12: {  	s1 =	sld [smem:$0x3F9C];
	s0 =	simm.s32 @p0 $0x1  }
0x13: {  	[smem:$0x3FB7] =	sst s0;
	s0 =	simm.s32 @!p1 $0x0  }
0x14: {  	s2 =	sld [smem:$0x3F9B];
	s0 =	simm.s32 @p1 $0x1  }
0x15: {  	[smem:$0x3FB8] =	sst s0;
	s0 =	simm.s32 @!p2 $0x0  }
0x16: {  	s3 =	sld [smem:$0x3FDB];
	s0 =	simm.s32 @p2 $0x1  }
0x17: {  	s4 =	simm.s32 $0x1BF5;
	[smem:$0x3FBA] =	sst s0  }
0x18: {  	s0 =	sld [smem:$0x3F9D];
	_ =	swait.ge [sflag:s4], $0x0  }
0x19: {  	s7 =	sld [smem:$0x3F9E]  }
0x1a: {  	s8 =	sadd.s32 $0xFFFFE003, lr  }
0x1b: {  	s9 =	sadd.s32 $0xFFFFFEF7, lr;
	s5 =	simm.s32 $0xFFFFFFFF;
	p2 =	slt.u32 s8, $0xFFFFF086  }
0x1c: {  	p1 =	slt.u32 s9, $0xF7A;
	s5 =	simm.s32 @!p2 $0x0  }
0x1d: {  	s5 =	simm.s32 @p1 $0x1;
	p0 =	seq.s32 s7, s2  }
0x1e: {  	s7 =	smul.u32 @!p0 $0xF7A, s2;
	p2 =	seq.s32 @!p0 s5, $0x0  }
0x1f: {  	s9 =	smul.u32 $0xF7A, s1;
	s8 =	simm.s32 @!p0 $0x1BF5;
	p2 =	por !p2, p0  }
0x20: {  	[sflag:s8] =	ssyncset.s32 @!p0 $0xFFFFF086;
	s6 =	sadd.s32 @!p0 s3, s7;
	s7 =	simm.s32 @!p0 $0x108  }
0x21: {  	s3 =	sadd.s32 s3, s9;
	s6 =	sadd.s32 @!p0 $0x88, s6;
	s7 =	simm.s32 @p2 $0x1082  }
0x22: {  	[simem:s7], [sflag:s8] =	dma.local @!p0 [hbm:s6], $0xF7A  }
0x23: {  	s9 =	sor.u32 $0xD0000000, s2;
	s6 =	simm.s32 $0x108;
	_ =	swait.ge @!p0 [sflag:s8], $0x0  }
0x24: {  	s3 =	sadd.s32 $0x88, s3;
	s6 =	simm.s32 @!p1 $0x1082;
	[sflag:s4] =	ssyncset.s32 $0xFFFFF086  }
0x25: {  	[simem:s6], [sflag:s4] =	dma.local [hbm:s3], $0xF7A  }
0x26: {  	[smem:$0x3F9E] =	sst s1;
	(tag) =	ssettag s2;
	_ =	strace s9  }
0x27: {  	s1 =	sld [smem:$0x3FAE]  }
0x28: {  	s2 =	sld [smem:$0x3FAF]  }
0x29: {  	s4 =	sld [smem:$0x3FB1]  }
0x2a: {  	p0 =	seq.s32 s5, $0x0;
	s5 =	sld [smem:$0x3FB2]  }
0x2b: {  	s6 =	sld [smem:$0x3FB3]  }
0x2c: {  	s7 =	sld [smem:$0x3FB4]  }
0x2d: {  	s3 =	simm.s32 $0x108;
	s8 =	sld [smem:$0x3FB5]  }
0x2e: {  	s3 =	simm.s32 @!p0 $0x1082;
	s9 =	sld [smem:$0x3FB6]  }
0x2f: {  	lr =	sadd.s32 s0, s3;
	s0 =	sld [smem:$0x3FAD]  }
0x30: {  	s3 =	sld [smem:$0x3FB0]  }
0x31: {  	[smem:$0x3FB9] =	sst s10  }
0x32: {  	s10 =	sld [smem:$0x3FB7];
	_ =	sdelay $0x3  }
0x33: {  	p0 =	seq.s32 s10, $0x1;
	s10 =	sld [smem:$0x3FB9];
	_ =	sdelay $0x3  }
0x34: {  	[smem:$0x3FB9] =	sst s10  }
0x35: {  	s10 =	sld [smem:$0x3FB8];
	_ =	sdelay $0x3  }
0x36: {  	p1 =	seq.s32 s10, $0x1;
	s10 =	sld [smem:$0x3FB9];
	_ =	sdelay $0x3  }
0x37: {  	[smem:$0x3FB9] =	sst s10  }
0x38: {  	s10 =	sld [smem:$0x3FBA]  }
0x39: {  	_ = 	snop;
	(pc) =	sbr.ind lr, $3  }
0x3a: {  	_ = 	snop  }
0x3b: {  	_ = 	snop  }
0x3c: {  	p2 =	seq.s32 s10, $0x1;
	s10 =	sld [smem:$0x3FB9]  }
0x3d: {  	_ =	shalt  }
0x3e: {  	_ =	shalt  }
0x3f: {  	_ =	shalt  }
0x40: {  	_ =	shalt  }
0x41: {  	_ =	shalt  }
0x42: {  	_ =	shalt  }
0x43: {  	_ =	shalt  }
0x44: {  	_ =	shalt  }
0x45: {  	_ =	shalt  }
0x46: {  	_ =	shalt  }
0x47: {  	_ =	shalt  }
0x48: {  	_ =	shalt  }
0x49: {  	_ =	shalt  }
0x4a: {  	_ =	shalt  }
0x4b: {  	_ =	shalt  }
0x4c: {  	_ =	shalt  }
0x4d: {  	_ =	shalt  }
0x4e: {  	_ =	shalt  }
0x4f: {  	_ =	shalt  }
0x50: {  	_ =	shalt  }
0x51: {  	_ =	shalt  }
0x52: {  	_ =	shalt  }
0x53: {  	_ =	shalt  }
0x54: {  	_ =	shalt  }
0x55: {  	_ =	shalt  }
0x56: {  	_ =	shalt  }
0x57: {  	_ =	shalt  }
0x58: {  	_ =	shalt  }
0x59: {  	_ =	shalt  }
0x5a: {  	_ =	shalt  }
0x5b: {  	_ =	shalt  }
0x5c: {  	_ =	shalt  }
0x5d: {  	_ =	shalt  }
0x5e: {  	_ =	shalt  }
0x5f: {  	_ =	shalt  }
0x60: {  	_ =	shalt  }
0x61: {  	_ =	shalt  }
0x62: {  	_ =	shalt  }
0x63: {  	_ =	shalt  }
0x64: {  	_ =	shalt  }
0x65: {  	_ =	shalt  }
0x66: {  	_ =	shalt  }
0x67: {  	_ =	shalt  }
0x68: {  	_ =	shalt  }
0x69: {  	_ =	shalt  }
0x6a: {  	_ =	shalt  }
0x6b: {  	_ =	shalt  }
0x6c: {  	_ =	shalt  }
0x6d: {  	_ =	shalt  }
0x6e: {  	_ =	shalt  }
0x6f: {  	_ =	shalt  }
0x70: {  	_ =	shalt  }
0x71: {  	_ =	shalt  }
0x72: {  	_ =	shalt  }
0x73: {  	_ =	shalt  }
0x74: {  	_ =	shalt  }
0x75: {  	_ =	shalt  }
0x76: {  	_ =	shalt  }
0x77: {  	_ =	shalt  }
0x78: {  	_ =	shalt  }
0x79: {  	_ =	shalt  }
0x7a: {  	_ =	shalt  }
0x7b: {  	_ =	shalt  }
0x7c: {  	_ =	shalt  }
0x7d: {  	_ =	shalt  }
0x7e: {  	_ =	shalt  }
0x7f: {  	_ =	shalt  }
0x80: {  	_ =	shalt  }
0x81: {  	_ =	shalt  }
0x82: {  	_ =	shalt  }
0x83: {  	_ =	shalt  }
0x84: {  	_ =	shalt  }
0x85: {  	_ =	shalt  }
0x86: {  	_ =	shalt  }
0x87: {  	_ =	shalt  }
.Lfunc_end0:
.L_simem_size_0:
called_computation_lowered:
.L_overlay_start_0:
0x88: {  	s2 =	sld [smem:$0x3FD9]  }
0x89: {  	s3 =	sld [smem:$0x3FFE];
	_ =	sdelay $0x1  }
0x8a: {  	s1 =	srdreg.scid  }
0x8b: {  	s0 =	sand.u32 $0x1, s1  }
0x8c: {  	s17 =	sshll.u32 s0, $0xA;
	s2 =	sadd.s32 s3, s2  }
0x8d: {  	s2 =	sadd.s32 s2, s17  }
0x8e: {  	[smem:$0x3FC5] =	sst s2  }
0x8f: {  	_ = 	snop  }
0x90: {  	s2 =	sld [smem:$0x3FC9]  }
0x91: {  	s18 =	sld [smem:$0x3FC8];
	(tm) =	ssettm $0x1  }
0x92: {  	s4 =	sld [smem:$0x3FFB];
	_ =	sdelay $0x3  }
0x93: {  	_ =	strace s4  }
0x94: {  	s4 =	sld [smem:$0x3FFC];
	_ =	sdelay $0x3  }
0x95: {  	_ =	strace s4  }
0x96: {  	s4 =	sld [smem:$0x3FFD];
	_ =	sdelay $0x3  }
0x97: {  	_ =	strace s4  }
0x98: {  	_ =	strace $0x8FFFFFFF  }
0x99: {  	s19 =	sld [smem:$0x3FDB];
	_ =	sdelay $0x1  }
0x9a: {  	s5 =	simm.s32 $_scs_section_size  }
0x9b: {  	s6 =	simm.s32 $_size__tile_overlayer_lowered;
	s7 =	simm.s32 $_tile_overlayer_lowered  }
0x9c: {  	s22 =	simm.s32 $0x1BFF;
	s21 =	sshll.u32 s7, $0x1;
	s4 =	sadd.s32 s5, s19  }
0x9d: {  	s8 =	simm.s32 $0x0;
	s20 =	sshll.u32 s6, $0x1;
	s6 =	sadd.s32 s21, s4  }
0x9e: {  	[timem:s8], [sflag:s22] =	dma.local [hbm:s6], s20  }
0x9f: {  	_ =	swait.ge [sflag:s22], s20  }
0xa0: {  	s5 =	ssub.s32 $0x0, s20;
	[sflag:s22] =	ssyncset.done $0x0  }
0xa1: {  	[sflag:s22] =	ssyncadd.s32 s5;
	_ =	sdelay $0x1  }
0xa2: {  	s23 =	simm.s32 $0x1B8B  }
0xa3: {  	_ =	swait.ge [sflag:s23], $0x1  }
0xa4: {  	[sflag:s23] =	ssyncset.done $0x0  }
0xa5: {  	s25 =	simm.s32 $0x1B8E;
	s24 =	sld [smem:$0x3FFE];
	[sflag:s23] =	ssyncadd.s32 $0xFFFFFFFF  }
0xa6: {  	s26 =	simm.s32 $execute0_lowered;
	[smem:$0x3FD2] =	sst s25  }
0xa7: {  	s6 =	sshll.u32 s26, $0x1;
	_ =	strace $0x80000046;
	[dreg:$0x1] =	wrdreg $0xFFFFFFFF  }
0xa8: {  	s28 =	simm.s32 $_size_execute0_lowered;
	s4 =	sadd.s32 s4, s6;
	[dreg:$0x0] =	wrdreg $0x0  }
0xa9: {  	s6 =	sshll.u32 s28, $0x1;
	[dreg:$0x2] =	wrdreg s4  }
0xaa: {  	[dreg:$0x3] =	wrdreg s6  }
0xab: {  	[dreg:$0x4] =	wrdreg $0xC0  }
0xac: {  	_ =	task [dreg:s8], $0x5FFFF  }
0xad: {  	[dreg:$0x1] =	wrdreg $0xFFFFFFFF  }
0xae: {  	[dreg:$0x0] =	wrdreg $0x60  }
0xaf: {  	[dreg:$0x2] =	wrdreg s2  }
0xb0: {  	[dreg:$0x3] =	wrdreg s18  }
0xb1: {  	[dreg:$0x4] =	wrdreg s24  }
0xb2: {  	[dreg:$0x5] =	wrdreg $0x10E800  }
0xb3: {  	[dreg:$0x6] =	wrdreg $0x9  }
0xb4: {  	_ =	task.clear_ibuf [dreg:s8], $0x7FFFF;
	_ =	strace $0x90000046  }
0xb5: {  	s29 =	simm.s32 $0x9;
	_ =	strace $0x80000048  }
0xb6: {  	_ =	swait.ge [sflag:s29], $0x1  }
0xb7: {  	[sflag:s29] =	ssyncadd.s32 $0xFFFFFFFF  }
0xb8: {  	_ =	strace $0x90000048  }
0xb9: {  	_ =	sfence  }
0xba: {  	s30 =	sld [smem:$0x0];
	_ =	sdelay $0x2  }
0xbb: {  	s31 =	sshll.u32 s1, $0xD;
	s1 =	sshrl.u32 s1, $0x2  }
0xbc: {  	s3 =	sand.u32 $0x4000, s31;
	s1 =	sadd.s32 s1, s30  }
0xbd: {  	s0 =	sor.u32 s3, s0;
	s1 =	sshll.u32 s1, $0x11  }
0xbe: {  	s0 =	sor.u32 s1, s0  }
0xbf: {  	s0 =	sadd.s32 $0x8F2B, s0  }
0xc0: {  	[sflag:s0] =	ssyncadd.remote.s32 $0x1  }
0xc1: {  	_ =	sfence.sel $0xFFFF  }
0xc2: {  	[dreg:$0x0] =	wrdreg $0xFFFFFFFF;
	(pc) =	sbr.abs _section_cstart, $3  }
0xc3: {  	[dreg:$0x1] =	wrdreg $0xFFFFFFFF  }
0xc4: {  	_ =	task.clear_ibuf [dreg:s8], $0x2FFFF;
	_ =	strace $0x9FFFFFFF  }
0xc5: {  	(tm) =	ssettm $0x7FFFFFFF  }
tec
execute0_lowered:
.L_overlay_start_1:
0x0: {  	(tag) =	ssettag $0x1  }
0x1: {  	s0 =	rddreg [dreg:$0x0]  }
0x2: {  	s1 =	rddreg [dreg:$0x1]  }
0x3: {  	s2 =	rddreg [dreg:$0x2]  }
0x4: {  	s3 =	rddreg [dreg:$0x3]  }
0x5: {  	s4 =	srdreg.scid;
	s13 =	stileid.u32;
	s28 =	simm.s32 $0x10100  }
0x6: {  	s29 =	simm.s32 $0x8000;
	s30 =	simm.s32 $0x1;
	s31 =	simm.s32 $0x80  }
0x7: {  	s5 =	sand.u32 $0x1, s4;
	s4 =	simm.s32 $0x0;
	s19 =	smul.u32 $0x27100, s13  }
0x8: {  	s7 =	sshll.u32 s13, $0xA;
	p0 =	sgt.u32 s13, $0xC;
	s6 =	smul.u32 $0x3400, s5  }
0x9: {  	s8 =	sshll.u32 s5, $0x4;
	[smem:$0x7FF] =	sst s4;
	s15 =	smul.u32 $0x27100, s5  }
0xa: {  	s9 =	ssub.s32 $0x2, s5;
	s5 =	smul.u32 $0x271000, s5;
	s8 =	sor.u32 s13, s8  }
0xb: {  	_ =	strace $0x80000047;
	s25 =	sshrl.u32 s9, $0x1;
	s10 =	smul.u32 $0x2710, s8  }
0xc: {  	s6 =	sadd.s32 s7, s6;
	s8 =	smul.u32 $0x27100, s8;
	s7 =	sadd.s32 s7, s3  }
0xd: {  	s6 =	sshrl.u32 s6, $0x3;
	[dreg:$0xb] =	wrdreg s7;
	s7 =	simm.s32 $0x6  }
0xe: {  	s2 =	sadd.s32 s6, s2;
	s6 =	ssub.s32 s9, s25;
	s26 =	sshrl.u32 s10, $0x3  }
0xf: {  	s11 =	sadd.s32 $0x2700, s10;
	s10 =	sadd.s32 $0x80, s10;
	s8 =	sadd.s32 s0, s8  }
0x10: {  	s9 =	sadd.s32 s1, s26;
	[dreg:$0x6] =	wrdreg s8;
	s12 =	sshrl.u32 s10, $0x3  }
0x11: {  	s16 =	sshrl.u32 s11, $0x3;
	s2 =	sadd.s32 $0x800, s2;
	[dreg:$0x5] =	wrdreg s9  }
0x12: {  	s17 =	sshll.u32 s11, $0x4;
	s21 =	smax.u32 s6, $0x1;
	[dreg:$0xc] =	wrdreg s2  }
0x13: {  	s9 =	sshll.u32 s10, $0x4;
	s8 =	sadd.s32 s1, s12;
	[dreg:$0xd] =	wrdreg s21  }
0x14: {  	s12 =	smul.u32 $0x2710, s13;
	s18 =	sadd.s32 s0, s17;
	[dreg:$0x7] =	wrdreg s8  }
0x15: {  	s21 =	simm.s32 $0x4000;
	s14 =	sadd.s32 s0, s9;
	[dreg:$0xa] =	wrdreg s18  }
0x16: {  	s13 =	simm.s32 $0x10200;
	s9 =	sadd.s32 s1, s16;
	[dreg:$0x8] =	wrdreg s14  }
0x17: {  	s0 =	sadd.s32 s5, s0;
	s5 =	simm.s32 $0x2;
	[dreg:$0x9] =	wrdreg s9  }
0x18: {  	s8 =	sadd.s32 s12, s15;
	s14 =	sadd.s32 s19, s0;
	s19 =	simm.s32 $0x10000  }
0x19: {  	s12 =	simm.s32 $0x10A00;
	s9 =	simm.s32 $0x0;
	s20 =	sadd.s32 $0x280, s8  }
0x1a: {  	s23 =	sadd.s32 $0x100, s8;
	s24 =	sadd.s32 $0x180, s8;
	s25 =	sadd.s32 $0x200, s8  }
0x1b: {  	s8 =	simm.s32 $0x9;
	s22 =	sshrl.u32 s20, $0x3;
	[dreg:$0xf] =	wrdreg s25  }
.Ltmp0:
0x1c: {  	s2 =	sshrl.u32 s24, $0x3;
	s20 =	simm.s32 $0x10080;
	(pc) =	sbr.rel .LBB2_1-.Ltmp0, $4  }
0x1d: {  	s25 =	simm.s32 $0xA;
	s24 =	simm.s32 $0x10180;
	s0 =	sadd.s32 s22, s1  }
0x1e: {  	s26 =	sadd.s32 s2, s1;
	[dreg:$0xe] =	wrdreg s0;
	s0 =	sshrl.u32 s23, $0x3  }
0x1f: {  	s2 =	simm.s32 $0xC000;
	[dreg:$0x11] =	wrdreg s26;
	s0 =	sadd.s32 s0, s1  }
0x20: {  	v0 =	vimm.f32 $0.0e+00;
	s26 =	simm.s32 $0x7;
	[dreg:$0x10] =	wrdreg s0;
	s0 =	simm.s32 $0x8  }
.LBB2_15:
0x21: {  	_ =	swait.ge [sflag:s26], $0x4000  }
0x22: {  	[sflag:s26] =	ssyncset.done $0x0  }
0x23: {  	[sflag:s26] =	ssyncadd.s32 $0xFFFFC000  }
0x24: {  	_ =	swait.ge [sflag:s0], $0x4000  }
0x25: {  	[sflag:s0] =	ssyncset.done $0x0  }
0x26: {  	s6 =	simm.s32 $0x5;
	[sflag:s0] =	ssyncadd.s32 $0xFFFFC000  }
0x27: {  	_ =	swait.ge [sflag:s6], $0x4000  }
0x28: {  	[sflag:s6] =	ssyncset.done $0x0  }
0x29: {  	[sflag:s6] =	ssyncadd.s32 $0xFFFFC000  }
0x2a: {  	_ =	swait.ge [sflag:s7], $0x4000  }
0x2b: {  	[sflag:s7] =	ssyncset.done $0x0  }
0x2c: {  	[sflag:s7] =	ssyncadd.s32 $0xFFFFC000  }
0x2d: {  	_ =	swait.ge [sflag:s8], $0x10  }
0x2e: {  	[sflag:s8] =	ssyncset.done $0x0  }
0x2f: {  	[sflag:s8] =	ssyncadd.s32 $0xFFFFFFF0  }
0x30: {  	_ =	swait.ge [sflag:s8], $0x800  }
0x31: {  	s12 =	simm.s32 $0x10A00;
	[sflag:s8] =	ssyncset.done $0x0  }
0x32: {  	s13 =	simm.s32 $0x10200;
	s22 =	simm.s32 $0x10;
	[sflag:s8] =	ssyncadd.s32 $0xFFFFF800  }
0x33: {  	[spmem:s3] =	stream.indirect.scatter.add.f32 [tilespmem:s13], [sflag:$0xA], $0x80, s12, s22, $0xb8;
	[tilespmem:$0x111C0] =	vst v63  }
0x34: {  	_ =	swait.ge [sflag:s25], $0x800  }
0x35: {  	[sflag:s25] =	ssyncset.done $0x0  }
0x36: {  	[sflag:s25] =	ssyncadd.s32 $0xFFFFF800  }
0x37: {  	s6 =	stileid.u32;
	[bflag:$0x0] =	sbarrier.arrive $0xFFFF  }
0x38: {  	s6 =	sshll.u32 @!p0 s6, $0x6;
	s10 =	rddreg [dreg:$0xb]  }
0x39: {  	s6 =	sor.u32 @!p0 $0x1C0A, s6;
	s11 =	rddreg [dreg:$0xc];
	s10 =	sshrl.u32 @!p0 s10, $0x3  }
0x3a: {  	[hbm:s11], [sflag:s6] =	dma.local @!p0 [spmem:s10], $0x80  }
0x3b: {  	s6 =	simm.s32 @!p0 $0xA  }
0x3c: {  	_ =	swait.ge @!p0 [sflag:s6], $0x80  }
0x3d: {  	s9 =	sadd.s32 $0x1, s9;
	s23 =	rddreg [dreg:$0xd]  }
0x3e: {  	p1 =	sne.s32 s9, s23  }
.Ltmp1:
0x3f: {  	_ = 	snop;
	(pc) =	sbr.rel @!p1 .LBB2_16-.Ltmp1, $3  }
0x40: {  	_ =	sdelay $0x1  }
0x41: {  	[sflag:s6] =	ssyncset.done @!p0 $0x0  }
0x42: {  	[sflag:s6] =	ssyncadd.s32 @!p0 $0xFFFFFF80  }
.LBB2_1:
0x43: {  	s6 =	rddreg [dreg:$0x5]  }
0x44: {  	[tilespmem:s19], [sflag:$0x1] =	stream.linear.gather [hbm4b:s6+s4], $0x80, $0x38;
	[tilespmem:$0x111C0] =	vst v63  }
0x45: {  	s16 =	rddreg [dreg:$0x6]  }
0x46: {  	[tilespmem:s4], [sflag:$0x1] =	stream.linear.gather [hbm4b:s16+s4], $0x4000, $0x38;
	[tilespmem:$0x111C0] =	vst v63  }
0x47: {  	s17 =	rddreg [dreg:$0x7]  }
0x48: {  	[tilespmem:s20], [sflag:$0x2] =	stream.linear.gather [hbm4b:s17+s4], $0x80, $0x38;
	[tilespmem:$0x111C0] =	vst v63  }
0x49: {  	s18 =	rddreg [dreg:$0x8]  }
0x4a: {  	[tilespmem:s21], [sflag:$0x2] =	stream.linear.gather [hbm4b:s18+s4], $0x4000, $0x38;
	[tilespmem:$0x111C0] =	vst v63  }
.Ltmp2:
0x4b: {  	_ = 	snop;
	(pc) =	sbr.rel @p0 .LBB2_5-.Ltmp2, $4  }
0x4c: {  	s22 =	rddreg [dreg:$0x9]  }
0x4d: {  	[tilespmem:s12], [sflag:$0x9] =	stream.linear.gather [hbm4b:s22+s4], $0x10, $0x38;
	[tilespmem:$0x111C0] =	vst v63  }
0x4e: {  	s23 =	rddreg [dreg:$0xa]  }
0x4f: {  	[tilespmem:s13], [sflag:$0x9] =	stream.linear.gather [hbm4b:s23+s4], $0x800, $0x38;
	[tilespmem:$0x111C0] =	vst v63  }
0x50: {  	s10 =	sand.u32 $0xE00, s4  }
0x51: {  	s12 =	sand.u32 $0x70, s4;
	s15 =	sshrl.u32 s10, $0x2  }
0x52: {  	s10 =	simm.s32 $0x40;
	s15 =	sor.u32 s12, s15;
	s12 =	simm.s32 $0x0  }
.LBB2_3:
0x53: {  	p1 =	sne.s32 s10, $0xFC0  }
0x54: {  	[tilespmem:s15+$0x10A80] =	vst v0;
	s12 =	sadd.s32 $0x10, s12;
	s15 =	smov.u32 s10;
	s10 =	sadd.s32 $0x40, s10  }
.Ltmp3:
0x55: {  	(pc) =	sbr.rel @p1 .LBB2_3-.Ltmp3, $4  }
0x56: {  	_ = 	snop  }
0x57: {  	s15 =	sand.u32 $0xE00, s15  }
0x58: {  	s16 =	sand.u32 $0x70, s12;
	s15 =	sshrl.u32 s15, $0x2  }
0x59: {  	s15 =	sor.u32 s16, s15  }
0x5a: {  	[tilespmem:s15+$0x10A80] =	vst v0;
	s6 =	rddreg [dreg:$0xb];
	s10 =	simm.s32 $0x10A80  }
0x5b: {  	[spmem:s6] =	stream.linear.scatter [tilespmem:s10], [sflag:$0xA], $0x400, $0x38;
	[tilespmem:$0x111C0] =	vst v63  }
0x5c: {  	_ =	swait.ge [sflag:s25], $0x400  }
0x5d: {  	[sflag:s25] =	ssyncset.done $0x0  }
0x5e: {  	[sflag:s25] =	ssyncadd.s32 $0xFFFFFC00  }
.LBB2_5:
.Ltmp4:
0x5f: {  	[bflag:$0x0] =	sbarrier.arrive $0xFFFF;
	(pc) =	sbr.rel .LBB2_6-.Ltmp4, $4  }
0x60: {  	s18 =	rddreg [dreg:$0x11]  }
0x61: {  	s17 =	rddreg [dreg:$0x10]  }
0x62: {  	s16 =	rddreg [dreg:$0xf]  }
0x63: {  	s10 =	simm.s32 $0x0;
	s12 =	simm.s32 $0x3;
	s15 =	rddreg [dreg:$0xe]  }
.LBB2_11:
0x64: {  	_ =	swait.ge [sflag:s0], $0x4000  }
0x65: {  	[sflag:s0] =	ssyncset.done $0x0  }
0x66: {  	[sflag:s0] =	ssyncadd.s32 $0xFFFFC000  }
.LBB2_13:
0x67: {  	[tilespmem:s24], [sflag:$0x4] =	stream.linear.gather [hbm4b:s18+s4], $0x80, $0x38;
	[tilespmem:$0x111C0] =	vst v63  }
0x68: {  	s13 =	sadd.s32 s10, s14  }
0x69: {  	s13 =	sadd.s32 $0x1800, s13  }
0x6a: {  	[tilespmem:s2], [sflag:$0x4] =	stream.linear.gather [hbm4b:s13+s4], $0x4000, $0x38;
	[tilespmem:$0x111C0] =	vst v63  }
.LBB2_14:
0x6b: {  	_ =	swait.ge [sflag:s5], $0x80  }
0x6c: {  	[sflag:s5] =	ssyncset.done $0x0  }
0x6d: {  	[sflag:s5] =	ssyncadd.s32 $0xFFFFFF80  }
0x6e: {  	_ =	swait.ge [sflag:s5], $0x4000  }
0x6f: {  	p1 =	sgt.u32 s22, $0x4D;
	[sflag:s5] =	ssyncset.done $0x0  }
0x70: {  	s13 =	simm.s32 @!p1 $0x5;
	[sflag:s5] =	ssyncadd.s32 $0xFFFFC000  }
0x71: {  	[spmem:s3] =	stream.indirect.scatter.add.f32 [tilespmem:s21], [sflag:$0x6], $0x80, s20, s31, $0xb8;
	[tilespmem:$0x111C0] =	vst v63  }
0x72: {  	_ =	swait.ge @!p1 [sflag:s13], $0x4000  }
0x73: {  	[sflag:s13] =	ssyncset.done @!p1 $0x0  }
0x74: {  	[sflag:s13] =	ssyncadd.s32 @!p1 $0xFFFFC000;
	s13 =	sshrl.u32 @!p1 s16, $0x3  }
0x75: {  	s22 =	simm.s32 @!p1 $0x0;
	s23 =	simm.s32 @!p1 $0x10000;
	s13 =	sadd.s32 @!p1 s1, s13  }
0x76: {  	[tilespmem:s23], [sflag:$0x1] =	stream.linear.gather @!p1 [hbm4b:s13+s22], $0x80, $0x38;
	[tilespmem:$0x111C0] =	vst v63  }
0x77: {  	s13 =	sadd.s32 @!p1 s10, s14  }
0x78: {  	s23 =	sadd.s32 @!p1 $0x2000, s13  }
0x79: {  	[tilespmem:s22], [sflag:$0x1] =	stream.linear.gather @!p1 [hbm4b:s23+s22], $0x4000, $0x38;
	[tilespmem:$0x111C0] =	vst v63  }
0x7a: {  	s23 =	simm.s32 @!p1 $0x3  }
0x7b: {  	_ =	swait.ge @!p1 [sflag:s23], $0x80  }
0x7c: {  	[sflag:s23] =	ssyncset.done @!p1 $0x0  }
0x7d: {  	[sflag:s23] =	ssyncadd.s32 @!p1 $0xFFFFFF80  }
0x7e: {  	_ =	swait.ge @!p1 [sflag:s23], $0x4000  }
0x7f: {  	s11 =	simm.s32 @!p1 $0x10100;
	[sflag:s23] =	ssyncset.done @!p1 $0x0  }
0x80: {  	s6 =	simm.s32 @!p1 $0x8000;
	[sflag:s23] =	ssyncadd.s32 @!p1 $0xFFFFC000;
	s23 =	simm.s32 @!p1 $0x80  }
0x81: {  	[spmem:s3] =	stream.indirect.scatter.add.f32 @!p1 [tilespmem:s6], [sflag:$0x7], $0x80, s11, s23, $0xb8;
	[tilespmem:$0x111C0] =	vst v63  }
0x82: {  	s6 =	simm.s32 @!p1 $0x6  }
0x83: {  	_ =	swait.ge @!p1 [sflag:s6], $0x4000  }
0x84: {  	[sflag:s6] =	ssyncset.done @!p1 $0x0  }
0x85: {  	[sflag:s6] =	ssyncadd.s32 @!p1 $0xFFFFC000;
	s6 =	simm.s32 @!p1 $0x10080  }
0x86: {  	[tilespmem:s6], [sflag:$0x2] =	stream.linear.gather @!p1 [hbm4b:s15+s22], $0x80, $0x38;
	[tilespmem:$0x111C0] =	vst v63  }
0x87: {  	s11 =	simm.s32 @!p1 $0x4000;
	s6 =	sadd.s32 @!p1 $0x2800, s13  }
0x88: {  	[tilespmem:s11], [sflag:$0x2] =	stream.linear.gather @!p1 [hbm4b:s6+s22], $0x4000, $0x38;
	[tilespmem:$0x111C0] =	vst v63  }
0x89: {  	s6 =	simm.s32 @!p1 $0x4  }
0x8a: {  	_ =	swait.ge @!p1 [sflag:s6], $0x80  }
0x8b: {  	[sflag:s6] =	ssyncset.done @!p1 $0x0  }
0x8c: {  	[sflag:s6] =	ssyncadd.s32 @!p1 $0xFFFFFF80  }
0x8d: {  	_ =	swait.ge @!p1 [sflag:s6], $0x4000  }
0x8e: {  	s10 =	sadd.s32 $0x2000, s10;
	[sflag:s6] =	ssyncset.done @!p1 $0x0  }
0x8f: {  	s11 =	simm.s32 @!p1 $0xC000;
	[sflag:s6] =	ssyncadd.s32 @!p1 $0xFFFFC000;
	s6 =	simm.s32 @!p1 $0x10180  }
0x90: {  	[spmem:s3] =	stream.indirect.scatter.add.f32 @!p1 [tilespmem:s11], [sflag:$0x8], $0x80, s6, s23, $0xb8;
	[tilespmem:$0x111C0] =	vst v63  }
0x91: {  	p1 =	sne.s32 s10, $0x28000  }
.Ltmp5:
0x92: {  	_ = 	snop;
	(pc) =	sbr.rel @!p1 .LBB2_15-.Ltmp5, $3  }
0x93: {  	_ =	sdelay $0x1  }
0x94: {  	s17 =	sadd.s32 $0x40, s17;
	s12 =	sadd.s32 $0x4, s12  }
0x95: {  	s18 =	sadd.s32 $0x40, s18;
	s16 =	sadd.s32 $0x200, s16;
	s15 =	sadd.s32 $0x40, s15  }
.LBB2_6:
0x96: {  	p1 =	seq.s32 s10, $0x0;
	s22 =	sadd.s32 $0xFFFFFFFF, s12  }
0x97: {  	p2 =	sgt.u32 @!p1 s22, $0x4D  }
0x98: {  	p2 =	por p1, p2  }
.Ltmp6:
0x99: {  	_ = 	snop;
	(pc) =	sbr.rel @p2 .LBB2_8-.Ltmp6, $1  }
0x9a: {  	_ =	sdelay $0x3  }
0x9b: {  	_ =	swait.ge [sflag:s26], $0x4000  }
0x9c: {  	[sflag:s26] =	ssyncset.done $0x0  }
0x9d: {  	[sflag:s26] =	ssyncadd.s32 $0xFFFFC000  }
.LBB2_9:
0x9e: {  	[tilespmem:s28], [sflag:$0x3] =	stream.linear.gather [hbm4b:s17+s4], $0x80, $0x38;
	[tilespmem:$0x111C0] =	vst v63  }
0x9f: {  	s13 =	sadd.s32 s10, s14  }
0xa0: {  	s13 =	sadd.s32 $0x1000, s13  }
0xa1: {  	[tilespmem:s29], [sflag:$0x3] =	stream.linear.gather [hbm4b:s13+s4], $0x4000, $0x38;
	[tilespmem:$0x111C0] =	vst v63  }
.LBB2_10:
0xa2: {  	_ =	swait.ge [sflag:s30], $0x80;
	p2 =	sgt.u32 @!p1 s12, $0x4D  }
0xa3: {  	[sflag:s30] =	ssyncset.done $0x0;
	p1 =	por p1, p2  }
.Ltmp7:
0xa4: {  	[sflag:s30] =	ssyncadd.s32 $0xFFFFFF80;
	(pc) =	sbr.rel @!p1 .LBB2_11-.Ltmp7, $4  }
0xa5: {  	_ =	swait.ge [sflag:s30], $0x4000  }
0xa6: {  	[sflag:s30] =	ssyncset.done $0x0  }
0xa7: {  	[sflag:s30] =	ssyncadd.s32 $0xFFFFC000  }
0xa8: {  	[spmem:s3] =	stream.indirect.scatter.add.f32 [tilespmem:s4], [sflag:$0x5], $0x80, s19, s31, $0xb8;
	[tilespmem:$0x111C0] =	vst v63  }
0xa9: {  	p1 =	sgt.u32 s12, $0x4D  }
.Ltmp8:
0xaa: {  	_ = 	snop;
	(pc) =	sbr.rel @p1 .LBB2_14-.Ltmp8, $4  }
.Ltmp9:
0xab: {  	_ = 	snop;
	(pc) =	sbr.rel @!p1 .LBB2_13-.Ltmp9, $4  }
0xac: {  	_ = 	snop  }
0xad: {  	_ = 	snop  }
0xae: {  	_ = 	snop  }
0xaf: {  	_ = 	snop  }
.LBB2_8:
0xb0: {  	p2 =	sgt.u32 s22, $0x4D  }
.Ltmp10:
0xb1: {  	_ = 	snop;
	(pc) =	sbr.rel @p2 .LBB2_10-.Ltmp10, $4  }
.Ltmp11:
0xb2: {  	_ = 	snop;
	(pc) =	sbr.rel @!p2 .LBB2_9-.Ltmp11, $4  }
0xb3: {  	_ = 	snop  }
0xb4: {  	_ = 	snop  }
0xb5: {  	_ = 	snop  }
0xb6: {  	_ = 	snop  }
.LBB2_16:
0xb7: {  	_ =	sfence.sel $0x180000  }
0xb8: {  	[bflag:$0x0] =	sbarrier.arrive $0xFFFF  }
0xb9: {  	_ =	strace $0x90000047  }
0xba: {  	s0 =	stileid.u32;
	[bflag:$0x2] =	sbarrier.arrive $0xFFFF  }
0xbb: {  	p0 =	sne.s32 s0, $0x0;
	s0 =	rddreg [dreg:$0x4]  }
0xbc: {  	s0 =	sadd.s32 @!p0 $0x100000, s0  }
0xbd: {  	[sflag:s0] =	ssyncadd.tile.s32 @!p0 $0x1;
	_ =	shalt  }
.Lfunc_end2:
_tile_overlayer_lowered:
.L_overlay_start_2:
0xbe: {  	(tag) =	ssettag $0x2  }
0xbf: {  	s0 =	rddreg [dreg:$0x0];
	s2 =	stileid.u32  }
0xc0: {  	s1 =	rddreg [dreg:$0x1];
	p0 =	sne.s32 s2, $0x0  }
0xc1: {  	s3 =	rddreg [dreg:$0x2];
	[bflag:$0x3] =	sbarrier.arrive $0xFFFF;
	s2 =	simm.s32 @!p0 $0x1C0A  }
0xc2: {  	[timem:s3], [sflag:s2] =	dma.local @!p0 [hbm:s0], s1  }
0xc3: {  	s0 =	simm.s32 @!p0 $0xA  }
0xc4: {  	_ =	swait.ge @!p0 [sflag:s0], s1  }
0xc5: {  	s1 =	ssub.s32 @!p0 $0x0, s1;
	[sflag:s0] =	ssyncset.done @!p0 $0x0  }
0xc6: {  	[sflag:s0] =	ssyncadd.s32 @!p0 s1  }
0xc7: {  	[bflag:$0x3] =	sbarrier.arrive $0xFFFF  }
0xc8: {  	_ =	shalt  }

</sc_bundles>
